<compile_context>
chip_gen: v7x
topology: tpu7x:2x2x1
jax: 0.10.2.dev20260603
libtpu: 0.0.44.dev20260713+nightly
codegen_flags: <defaults>
</compile_context>

<pallas_src>
import functools

import jax
import jax.numpy as jnp
from jax import lax
from jax.experimental import pallas as pl
from jax.experimental.pallas import tpu as pltpu
from jax.experimental.pallas import tpu_sc as plsc

EMBED_DIM = 64
NUM_NEG = 200
N_TARGETS = 1 + NUM_NEG
PER_TILE = 13


def _softplus(z):
    e = jnp.exp(-jnp.abs(z))
    t = e / (e + 2.0)
    t2 = t * t
    ln_y = 2.0 * t * (1.0 + t2 * (1.0 / 3.0 + t2 * (1.0 / 5.0 + t2 * (1.0 / 7.0 + t2 * (1.0 / 9.0)))))
    return jnp.maximum(z, 0.0) + ln_y


def _lane_shuffle(v, idxs):
    return lax.gather(
        v, idxs[:, None],
        dimension_numbers=lax.GatherDimensionNumbers(
            offset_dims=(), collapsed_slice_dims=(0,), start_index_map=(0,)),
        slice_sizes=(1,),
        mode=lax.GatherScatterMode.PROMISE_IN_BOUNDS)


def _sc_kernel(inp_t_hbm, out_t_hbm, cen_hbm, pos_hbm, neg_hbm, out_hbm,
               idx_v, cen_v, ce_buf, win_buf, sp_v, sp_shared, red_buf,
               out_v, sem, sem_i, sem_c):
    on_core0 = lax.axis_index("c") == 0
    lanes = lax.iota(jnp.int32, 16)

    @pl.when(on_core0)
    def _():
        w = lax.axis_index("s")

        idx_v[pl.ds(192, 16)] = jnp.zeros((16,), jnp.int32)
        st0 = pltpu.make_async_copy(neg_hbm, idx_v.at[pl.ds(0, NUM_NEG)], sem_i)
        st1 = pltpu.make_async_copy(pos_hbm, idx_v.at[pl.ds(NUM_NEG, 1)], sem_i)
        st2 = pltpu.make_async_copy(cen_hbm, cen_v.at[pl.ds(0, 1)], sem_c)
        st0.start()
        st1.start()
        st2.start()
        st2.wait()
        c = cen_v[...][0]
        cp_ce = pltpu.make_async_copy(
            inp_t_hbm.at[:, pl.ds(pl.multiple_of((c >> 7) << 7, 128), 128)],
            ce_buf, sem)
        cp_ce.start()

        st0.wait()
        st1.wait()
        base = w * PER_TILE
        sh = jnp.bitwise_and(base, 15)
        v0 = idx_v[pl.ds(jnp.bitwise_and(base, ~15), 16)]
        v1 = idx_v[pl.ds(jnp.bitwise_and(base, ~15) + 16, 16)]
        rot = jnp.bitwise_and(lanes + sh, 15)
        g0 = _lane_shuffle(v0, rot)
        g1 = _lane_shuffle(v1, rot)
        idx_vec = jnp.where(lanes + sh < 16, g0, g1)

        cps = []
        for i in range(PER_TILE):
            r = idx_vec[i]
            cp = pltpu.make_async_copy(
                out_t_hbm.at[:, pl.ds(pl.multiple_of((r >> 7) << 7, 128), 128)],
                win_buf.at[pl.ds(i * EMBED_DIM, EMBED_DIM)], sem)
            cp.start()
            cps.append(cp)
        cp_ce.wait()
        for cp in cps:
            cp.wait()

        off_vec = jnp.bitwise_and(idx_vec, 127)
        i_vec = jnp.where(lanes < PER_TILE, lanes, 0)
        row_base = i_vec * EMBED_DIM
        c_off = jnp.full((16,), jnp.bitwise_and(c, 127), jnp.int32)

        def body(j, acc):
            jv = jnp.full((16,), j, jnp.int32)
            cej = plsc.load_gather(ce_buf, [jv, c_off])
            col = plsc.load_gather(win_buf, [row_base + jv, off_vec])
            return acc + cej * col

        acc = lax.fori_loop(0, EMBED_DIM, body, jnp.zeros((16,), jnp.float32),
                            unroll=16)

        t_vec = lanes + w * PER_TILE
        d = jnp.where(t_vec == NUM_NEG, -acc, acc)
        valid = jnp.logical_and(lanes < PER_TILE, t_vec < N_TARGETS)
        d = jnp.where(valid, d, -1e30)
        sp_v[...] = _softplus(d)
        pltpu.sync_copy(sp_v, sp_shared.at[pl.ds(w * 16, 16)])

    plsc.subcore_barrier()

    @pl.when(jnp.logical_and(on_core0, lax.axis_index("s") == 0))
    def _():
        pltpu.sync_copy(sp_shared, red_buf)
        total = red_buf[pl.ds(0, 16)]
        for ww in range(1, 16):
            total = total + red_buf[pl.ds(ww * 16, 16)]
        out_v[...] = jnp.full((16,), jnp.sum(total))
        pltpu.sync_copy(out_v.at[pl.ds(0, 1)], out_hbm.at[0])


@jax.jit
def _run(center_word, positive_words, negative_words, input_embeddings, output_embeddings):
    inp_t = input_embeddings.T
    out_t = output_embeddings.T
    mesh = plsc.VectorSubcoreMesh(core_axis_name="c", subcore_axis_name="s",
                                  num_cores=1)
    k = functools.partial(
        pl.kernel,
        mesh=mesh,
        compiler_params=pltpu.CompilerParams(needs_layout_passes=False),
        out_type=jax.ShapeDtypeStruct((1, 1), jnp.float32),
        scratch_types=[
            pltpu.VMEM((208,), jnp.int32),
            pltpu.VMEM((16,), jnp.int32),
            pltpu.VMEM((EMBED_DIM, 128), jnp.float32),
            pltpu.VMEM((PER_TILE * EMBED_DIM, 128), jnp.float32),
            pltpu.VMEM((16,), jnp.float32),
            pltpu.VMEM_SHARED((256,), jnp.float32),
            pltpu.VMEM((256,), jnp.float32),
            pltpu.VMEM((16,), jnp.float32),
            pltpu.SemaphoreType.DMA,
            pltpu.SemaphoreType.DMA,
            pltpu.SemaphoreType.DMA,
        ],
    )(_sc_kernel)
    return k(inp_t, out_t, center_word.astype(jnp.int32),
             positive_words.astype(jnp.int32), negative_words.astype(jnp.int32))


def kernel(center_word, positive_words, negative_words, input_embeddings, output_embeddings):
    return _run(center_word, positive_words, negative_words,
                input_embeddings, output_embeddings)

# --- scband reference (transcript-rebuilt; emitter-appended) ---
"""Pipeline reference for scband-skip-gram-model-73804718015040 (READ-ONLY COPY).

The authoritative reference and input builder live on the scoring server;
editing this copy changes nothing except your own understanding.
"""

import jax, jax.numpy as jnp
import numpy as np

VOCAB = 1000000
EMBED_DIM = 64
NUM_NEG = 200

def setup_inputs(seed: int = 0) -> dict:
    key = jax.random.key(seed)
    k1, k2, k3, k4, k5 = jax.random.split(key, 5)
    center_word = jax.random.randint(k1, (1,), 0, VOCAB, dtype=jnp.int64) if jax.config.jax_enable_x64 else jax.random.randint(k1, (1,), 0, VOCAB).astype(jnp.int32)
    positive_words = jax.random.randint(k2, (1,), 0, VOCAB).astype(center_word.dtype)
    negative_words = jax.random.randint(k3, (NUM_NEG,), 0, VOCAB).astype(center_word.dtype)
    input_embeddings = jax.random.normal(k4, (VOCAB, EMBED_DIM), dtype=jnp.float32) * 0.01
    output_embeddings = jax.random.normal(k5, (VOCAB, EMBED_DIM), dtype=jnp.float32) * 0.01
    return {
        "center_word": center_word,
        "positive_words": positive_words,
        "negative_words": negative_words,
        "input_embeddings": input_embeddings,
        "output_embeddings": output_embeddings,
    }

def reference(center_word, positive_words, negative_words, input_embeddings, output_embeddings):
    # input_embeddings(center_word): [1, d]
    ce = jnp.take(input_embeddings, center_word, axis=0)
    # output_embeddings(positive_words).view(-1, 1): [d, 1]
    pe = jnp.take(output_embeddings, positive_words, axis=0).reshape(-1, 1)
    pos = ce @ pe                              # [1, 1]
    log_pos = -jax.nn.log_sigmoid(pos)
    # output_embeddings(negative_words).neg(): [K, d]
    ne = -jnp.take(output_embeddings, negative_words, axis=0)
    neg = ne @ ce.reshape(-1, 1)               # [K, 1]
    log_neg = -jax.nn.log_sigmoid(neg)
    return log_pos + log_neg.sum()             # [1, 1]

if __name__ == "__main__":
    import jax
    _d = setup_inputs()
    print(jax.jit(kernel)(*tuple(_d.values())))

</pallas_src>

<mosaic_0001>
#map = affine_map<(d0, d1) -> (0, 0)>
#map1 = affine_map<(d0, d1) -> (0)>
module attributes {stable_mosaic.version = 14 : i64} {
  func.func @_sc_kernel(%arg0: i32, %arg1: i32, %arg2: memref<64x1000000xf32, #tpu.memory_space<hbm>>, %arg3: memref<64x1000000xf32, #tpu.memory_space<hbm>>, %arg4: memref<1xi32, #tpu.memory_space<hbm>>, %arg5: memref<1xi32, #tpu.memory_space<hbm>>, %arg6: memref<200xi32, #tpu.memory_space<hbm>>, %arg7: memref<1x1xf32, #tpu.memory_space<hbm>>, %arg8: memref<208xi32, #tpu.memory_space<vmem>>, %arg9: memref<16xi32, #tpu.memory_space<vmem>>, %arg10: memref<64x128xf32, #tpu.memory_space<vmem>>, %arg11: memref<832x128xf32, #tpu.memory_space<vmem>>, %arg12: memref<16xf32, #tpu.memory_space<vmem>>, %arg13: memref<256xf32, #tpu.memory_space<vmem_shared>>, %arg14: memref<256xf32, #tpu.memory_space<vmem>>, %arg15: memref<16xf32, #tpu.memory_space<vmem>>, %arg16: memref<!tpu.dma_semaphore, #tpu.memory_space<semaphore_mem>>, %arg17: memref<!tpu.dma_semaphore, #tpu.memory_space<semaphore_mem>>, %arg18: memref<!tpu.dma_semaphore, #tpu.memory_space<semaphore_mem>>) attributes {dimension_semantics = [#tpu.dimension_semantics<core_parallel>, #tpu.dimension_semantics<subcore_parallel>], iteration_bounds = array<i64: 1, 16>, scalar_prefetch = 0 : i64, scratch_operands = 11 : i64, tpu.core_type = #tpu.core_type<sc_vector_subcore>, window_params = [{transform_indices = #map}, {transform_indices = #map}, {transform_indices = #map1}, {transform_indices = #map1}, {transform_indices = #map1}, {transform_indices = #map}]} {
    %eq3A = arith.constant 0 : i32
    %eq3A_0 = arith.cmpi eq, %arg0, %eq3A : i32
    %iota3A = tpu.iota {dimensions = array<i32: 0>} : vector<16xi32>
    %convert_element_type3A = arith.extui %eq3A_0 : i1 to i32
    %cond3A = arith.constant 0 : i32
    %cond3A_1 = arith.cmpi ne, %convert_element_type3A, %cond3A : i32
    scf.if %cond3A_1 {
      %broadcast_in_dim3A = arith.constant 0 : i32
      %broadcast_in_dim3A_7 = vector.broadcast %broadcast_in_dim3A : i32 to vector<16xi32>
      %swap3A = arith.constant 192 : index
      %swap3A_8 = tpu.vector_load %arg8[%swap3A] {strides = array<i32>} : memref<208xi32, #tpu.memory_space<vmem>>, vector<16xi32>,
      tpu.vector_store %arg8[%swap3A], %broadcast_in_dim3A_7 {strides = array<i32>} : memref<208xi32, #tpu.memory_space<vmem>>, vector<16xi32>,
      %dma_start3A = arith.constant 0 : i32
      %dma_start3A_9 = tpu.memref_slice %arg8[%dma_start3A] : memref<208xi32, #tpu.memory_space<vmem>> -> memref<200xi32, #tpu.memory_space<vmem>>
      %dma_start3A_10 = arith.constant 0 : i32
      %dma_start3A_11 = tpu.memref_slice %arg8[%dma_start3A_10] : memref<208xi32, #tpu.memory_space<vmem>> -> memref<200xi32, #tpu.memory_space<vmem>>
      tpu.enqueue_dma source(%arg6 : memref<200xi32, #tpu.memory_space<hbm>>) target(%dma_start3A_11 : memref<200xi32, #tpu.memory_space<vmem>>) target_semaphore(%arg17 : memref<!tpu.dma_semaphore, #tpu.memory_space<semaphore_mem>>)
      %dma_start3A_12 = arith.constant 200 : i32
      %dma_start3A_13 = tpu.memref_slice %arg8[%dma_start3A_12] : memref<208xi32, #tpu.memory_space<vmem>> -> memref<1xi32, #tpu.memory_space<vmem>>
      %dma_start3A_14 = arith.constant 200 : i32
      %dma_start3A_15 = tpu.memref_slice %arg8[%dma_start3A_14] : memref<208xi32, #tpu.memory_space<vmem>> -> memref<1xi32, #tpu.memory_space<vmem>>
      tpu.enqueue_dma source(%arg5 : memref<1xi32, #tpu.memory_space<hbm>>) target(%dma_start3A_15 : memref<1xi32, #tpu.memory_space<vmem>>) target_semaphore(%arg17 : memref<!tpu.dma_semaphore, #tpu.memory_space<semaphore_mem>>)
      %dma_start3A_16 = arith.constant 0 : i32
      %dma_start3A_17 = tpu.memref_slice %arg9[%dma_start3A_16] : memref<16xi32, #tpu.memory_space<vmem>> -> memref<1xi32, #tpu.memory_space<vmem>>
      %dma_start3A_18 = arith.constant 0 : i32
      %dma_start3A_19 = tpu.memref_slice %arg9[%dma_start3A_18] : memref<16xi32, #tpu.memory_space<vmem>> -> memref<1xi32, #tpu.memory_space<vmem>>
      tpu.enqueue_dma source(%arg4 : memref<1xi32, #tpu.memory_space<hbm>>) target(%dma_start3A_19 : memref<1xi32, #tpu.memory_space<vmem>>) target_semaphore(%arg18 : memref<!tpu.dma_semaphore, #tpu.memory_space<semaphore_mem>>)
      %dma_wait3A = arith.constant 0 : i32
      %dma_wait3A_20 = tpu.memref_slice %arg9[%dma_wait3A] : memref<16xi32, #tpu.memory_space<vmem>> -> memref<1xi32, #tpu.memory_space<vmem>>
      %dma_wait3A_21 = arith.constant 0 : i32
      %dma_wait3A_22 = tpu.memref_slice %arg9[%dma_wait3A_21] : memref<16xi32, #tpu.memory_space<vmem>> -> memref<1xi32, #tpu.memory_space<vmem>>
      tpu.wait_dma2 semaphore(%arg18 : memref<!tpu.dma_semaphore, #tpu.memory_space<semaphore_mem>>) src(%arg4 : memref<1xi32, #tpu.memory_space<hbm>>) dst(%dma_wait3A_22 : memref<1xi32, #tpu.memory_space<vmem>>)
      %get3A = arith.constant 0 : index
      %get3A_23 = tpu.vector_load %arg9[%get3A] {strides = array<i32>} : memref<16xi32, #tpu.memory_space<vmem>>, vector<16xi32>,
      %slice3A = vector.extract_strided_slice %get3A_23 {offsets = [0], sizes = [1], strides = [1]} : vector<16xi32> to vector<1xi32>
      %squeeze3A = vector.extract %slice3A[0] : i32 from vector<1xi32>
      %shift_right_arithmetic3A = arith.constant 7 : i32
      %shift_right_arithmetic3A_24 = arith.shrsi %squeeze3A, %shift_right_arithmetic3A : i32
      %shift_left3A = arith.constant 7 : i32
      %shift_left3A_25 = arith.shli %shift_right_arithmetic3A_24, %shift_left3A : i32
      %multiple_of3A = tpu.assume_multiple %shift_left3A_25, 128 : i32
      %dma_start3A_26 = arith.constant 0 : i32
      %dma_start3A_27 = tpu.memref_slice %arg2[%dma_start3A_26, %multiple_of3A] : memref<64x1000000xf32, #tpu.memory_space<hbm>> -> memref<64x128xf32, #tpu.memory_space<hbm>>
      %dma_start3A_28 = arith.constant 0 : i32
      %dma_start3A_29 = tpu.memref_slice %arg2[%dma_start3A_28, %multiple_of3A] : memref<64x1000000xf32, #tpu.memory_space<hbm>> -> memref<64x128xf32, #tpu.memory_space<hbm>>
      tpu.enqueue_dma source(%dma_start3A_29 : memref<64x128xf32, #tpu.memory_space<hbm>>) target(%arg10 : memref<64x128xf32, #tpu.memory_space<vmem>>) target_semaphore(%arg16 : memref<!tpu.dma_semaphore, #tpu.memory_space<semaphore_mem>>)
      %dma_wait3A_30 = arith.constant 0 : i32
      %dma_wait3A_31 = tpu.memref_slice %arg8[%dma_wait3A_30] : memref<208xi32, #tpu.memory_space<vmem>> -> memref<200xi32, #tpu.memory_space<vmem>>
      %dma_wait3A_32 = arith.constant 0 : i32
      %dma_wait3A_33 = tpu.memref_slice %arg8[%dma_wait3A_32] : memref<208xi32, #tpu.memory_space<vmem>> -> memref<200xi32, #tpu.memory_space<vmem>>
      tpu.wait_dma2 semaphore(%arg17 : memref<!tpu.dma_semaphore, #tpu.memory_space<semaphore_mem>>) src(%arg6 : memref<200xi32, #tpu.memory_space<hbm>>) dst(%dma_wait3A_33 : memref<200xi32, #tpu.memory_space<vmem>>)
      %dma_wait3A_34 = arith.constant 200 : i32
      %dma_wait3A_35 = tpu.memref_slice %arg8[%dma_wait3A_34] : memref<208xi32, #tpu.memory_space<vmem>> -> memref<1xi32, #tpu.memory_space<vmem>>
      %dma_wait3A_36 = arith.constant 200 : i32
      %dma_wait3A_37 = tpu.memref_slice %arg8[%dma_wait3A_36] : memref<208xi32, #tpu.memory_space<vmem>> -> memref<1xi32, #tpu.memory_space<vmem>>
      tpu.wait_dma2 semaphore(%arg17 : memref<!tpu.dma_semaphore, #tpu.memory_space<semaphore_mem>>) src(%arg5 : memref<1xi32, #tpu.memory_space<hbm>>) dst(%dma_wait3A_37 : memref<1xi32, #tpu.memory_space<vmem>>)
      %mul3A = arith.constant 13 : i32
      %mul3A_38 = arith.muli %arg1, %mul3A : i32
      %and3A_39 = arith.constant 15 : i32
      %and3A_40 = arith.andi %mul3A_38, %and3A_39 : i32
      %and3A_41 = arith.constant -16 : i32
      %and3A_42 = arith.andi %mul3A_38, %and3A_41 : i32
      %get3A_43 = arith.index_cast %and3A_42 : i32 to index
      %get3A_44 = tpu.vector_load %arg8[%get3A_43] {strides = array<i32>} : memref<208xi32, #tpu.memory_space<vmem>>, vector<16xi32>,
      %and3A_45 = arith.constant -16 : i32
      %and3A_46 = arith.andi %mul3A_38, %and3A_45 : i32
      %add3A = arith.constant 16 : i32
      %add3A_47 = arith.addi %and3A_46, %add3A : i32
      %get3A_48 = arith.index_cast %add3A_47 : i32 to index
      %get3A_49 = tpu.vector_load %arg8[%get3A_48] {strides = array<i32>} : memref<208xi32, #tpu.memory_space<vmem>>, vector<16xi32>,
      %add3A_50 = vector.broadcast %and3A_40 : i32 to vector<16xi32>
      %add3A_51 = arith.addi %iota3A, %add3A_50 : vector<16xi32>
      %and3A_52 = arith.constant 15 : i32
      %and3A_53 = vector.broadcast %and3A_52 : i32 to vector<16xi32>
      %and3A_54 = arith.andi %add3A_51, %and3A_53 : vector<16xi32>
      %broadcast_in_dim3A_55 = vector.shape_cast %and3A_54 : vector<16xi32> to vector<16x1xi32>
      %gather3A = vector.shape_cast %broadcast_in_dim3A_55 : vector<16x1xi32> to vector<16xi32>
      %gather3A_56 = tpu.dynamic_gather %get3A_44[%gather3A] in [0] : vector<16xi32>, vector<16xi32> -> vector<16xi32>
      %broadcast_in_dim3A_57 = vector.shape_cast %and3A_54 : vector<16xi32> to vector<16x1xi32>
      %gather3A_58 = vector.shape_cast %broadcast_in_dim3A_57 : vector<16x1xi32> to vector<16xi32>
      %gather3A_59 = tpu.dynamic_gather %get3A_49[%gather3A_58] in [0] : vector<16xi32>, vector<16xi32> -> vector<16xi32>
      %add3A_60 = vector.broadcast %and3A_40 : i32 to vector<16xi32>
      %add3A_61 = arith.addi %iota3A, %add3A_60 : vector<16xi32>
      %lt3A = arith.constant 16 : i32
      %lt3A_62 = vector.broadcast %lt3A : i32 to vector<16xi32>
      %lt3A_63 = arith.cmpi slt, %add3A_61, %lt3A_62 : vector<16xi32>
      %select_n3A = arith.select %lt3A_63, %gather3A_56, %gather3A_59 : vector<16xi1>, vector<16xi32>
      %slice3A_64 = vector.extract_strided_slice %select_n3A {offsets = [0], sizes = [1], strides = [1]} : vector<16xi32> to vector<1xi32>
      %squeeze3A_65 = vector.extract %slice3A_64[0] : i32 from vector<1xi32>
      %shift_right_arithmetic3A_66 = arith.constant 7 : i32
      %shift_right_arithmetic3A_67 = arith.shrsi %squeeze3A_65, %shift_right_arithmetic3A_66 : i32
      %shift_left3A_68 = arith.constant 7 : i32
      %shift_left3A_69 = arith.shli %shift_right_arithmetic3A_67, %shift_left3A_68 : i32
      %multiple_of3A_70 = tpu.assume_multiple %shift_left3A_69, 128 : i32
      %dma_start3A_71 = arith.constant 0 : i32
      %dma_start3A_72 = arith.constant 0 : i32
      %dma_start3A_73 = tpu.memref_slice %arg11[%dma_start3A_71, %dma_start3A_72] : memref<832x128xf32, #tpu.memory_space<vmem>> -> memref<64x128xf32, #tpu.memory_space<vmem>>
      %dma_start3A_74 = arith.constant 0 : i32
      %dma_start3A_75 = tpu.memref_slice %arg3[%dma_start3A_74, %multiple_of3A_70] : memref<64x1000000xf32, #tpu.memory_space<hbm>> -> memref<64x128xf32, #tpu.memory_space<hbm>>
      %dma_start3A_76 = arith.constant 0 : i32
      %dma_start3A_77 = arith.constant 0 : i32
      %dma_start3A_78 = tpu.memref_slice %arg11[%dma_start3A_76, %dma_start3A_77] : memref<832x128xf32, #tpu.memory_space<vmem>> -> memref<64x128xf32, #tpu.memory_space<vmem>>
      %dma_start3A_79 = arith.constant 0 : i32
      %dma_start3A_80 = tpu.memref_slice %arg3[%dma_start3A_79, %multiple_of3A_70] : memref<64x1000000xf32, #tpu.memory_space<hbm>> -> memref<64x128xf32, #tpu.memory_space<hbm>>
      tpu.enqueue_dma source(%dma_start3A_80 : memref<64x128xf32, #tpu.memory_space<hbm>>) target(%dma_start3A_78 : memref<64x128xf32, #tpu.memory_space<vmem>>) target_semaphore(%arg16 : memref<!tpu.dma_semaphore, #tpu.memory_space<semaphore_mem>>)
      %slice3A_81 = vector.extract_strided_slice %select_n3A {offsets = [1], sizes = [1], strides = [1]} : vector<16xi32> to vector<1xi32>
      %squeeze3A_82 = vector.extract %slice3A_81[0] : i32 from vector<1xi32>
      %shift_right_arithmetic3A_83 = arith.constant 7 : i32
      %shift_right_arithmetic3A_84 = arith.shrsi %squeeze3A_82, %shift_right_arithmetic3A_83 : i32
      %shift_left3A_85 = arith.constant 7 : i32
      %shift_left3A_86 = arith.shli %shift_right_arithmetic3A_84, %shift_left3A_85 : i32
      %multiple_of3A_87 = tpu.assume_multiple %shift_left3A_86, 128 : i32
      %dma_start3A_88 = arith.constant 64 : i32
      %dma_start3A_89 = arith.constant 0 : i32
      %dma_start3A_90 = tpu.memref_slice %arg11[%dma_start3A_88, %dma_start3A_89] : memref<832x128xf32, #tpu.memory_space<vmem>> -> memref<64x128xf32, #tpu.memory_space<vmem>>
      %dma_start3A_91 = arith.constant 0 : i32
      %dma_start3A_92 = tpu.memref_slice %arg3[%dma_start3A_91, %multiple_of3A_87] : memref<64x1000000xf32, #tpu.memory_space<hbm>> -> memref<64x128xf32, #tpu.memory_space<hbm>>
      %dma_start3A_93 = arith.constant 64 : i32
      %dma_start3A_94 = arith.constant 0 : i32
      %dma_start3A_95 = tpu.memref_slice %arg11[%dma_start3A_93, %dma_start3A_94] : memref<832x128xf32, #tpu.memory_space<vmem>> -> memref<64x128xf32, #tpu.memory_space<vmem>>
      %dma_start3A_96 = arith.constant 0 : i32
      %dma_start3A_97 = tpu.memref_slice %arg3[%dma_start3A_96, %multiple_of3A_87] : memref<64x1000000xf32, #tpu.memory_space<hbm>> -> memref<64x128xf32, #tpu.memory_space<hbm>>
      tpu.enqueue_dma source(%dma_start3A_97 : memref<64x128xf32, #tpu.memory_space<hbm>>) target(%dma_start3A_95 : memref<64x128xf32, #tpu.memory_space<vmem>>) target_semaphore(%arg16 : memref<!tpu.dma_semaphore, #tpu.memory_space<semaphore_mem>>)
      %slice3A_98 = vector.extract_strided_slice %select_n3A {offsets = [2], sizes = [1], strides = [1]} : vector<16xi32> to vector<1xi32>
      %squeeze3A_99 = vector.extract %slice3A_98[0] : i32 from vector<1xi32>
      %shift_right_arithmetic3A_100 = arith.constant 7 : i32
      %shift_right_arithmetic3A_101 = arith.shrsi %squeeze3A_99, %shift_right_arithmetic3A_100 : i32
      %shift_left3A_102 = arith.constant 7 : i32
      %shift_left3A_103 = arith.shli %shift_right_arithmetic3A_101, %shift_left3A_102 : i32
      %multiple_of3A_104 = tpu.assume_multiple %shift_left3A_103, 128 : i32
      %dma_start3A_105 = arith.constant 128 : i32
      %dma_start3A_106 = arith.constant 0 : i32
      %dma_start3A_107 = tpu.memref_slice %arg11[%dma_start3A_105, %dma_start3A_106] : memref<832x128xf32, #tpu.memory_space<vmem>> -> memref<64x128xf32, #tpu.memory_space<vmem>>
      %dma_start3A_108 = arith.constant 0 : i32
      %dma_start3A_109 = tpu.memref_slice %arg3[%dma_start3A_108, %multiple_of3A_104] : memref<64x1000000xf32, #tpu.memory_space<hbm>> -> memref<64x128xf32, #tpu.memory_space<hbm>>
      %dma_start3A_110 = arith.constant 128 : i32
      %dma_start3A_111 = arith.constant 0 : i32
      %dma_start3A_112 = tpu.memref_slice %arg11[%dma_start3A_110, %dma_start3A_111] : memref<832x128xf32, #tpu.memory_space<vmem>> -> memref<64x128xf32, #tpu.memory_space<vmem>>
      %dma_start3A_113 = arith.constant 0 : i32
      %dma_start3A_114 = tpu.memref_slice %arg3[%dma_start3A_113, %multiple_of3A_104] : memref<64x1000000xf32, #tpu.memory_space<hbm>> -> memref<64x128xf32, #tpu.memory_space<hbm>>
      tpu.enqueue_dma source(%dma_start3A_114 : memref<64x128xf32, #tpu.memory_space<hbm>>) target(%dma_start3A_112 : memref<64x128xf32, #tpu.memory_space<vmem>>) target_semaphore(%arg16 : memref<!tpu.dma_semaphore, #tpu.memory_space<semaphore_mem>>)
      %slice3A_115 = vector.extract_strided_slice %select_n3A {offsets = [3], sizes = [1], strides = [1]} : vector<16xi32> to vector<1xi32>
      %squeeze3A_116 = vector.extract %slice3A_115[0] : i32 from vector<1xi32>
      %shift_right_arithmetic3A_117 = arith.constant 7 : i32
      %shift_right_arithmetic3A_118 = arith.shrsi %squeeze3A_116, %shift_right_arithmetic3A_117 : i32
      %shift_left3A_119 = arith.constant 7 : i32
      %shift_left3A_120 = arith.shli %shift_right_arithmetic3A_118, %shift_left3A_119 : i32
      %multiple_of3A_121 = tpu.assume_multiple %shift_left3A_120, 128 : i32
      %dma_start3A_122 = arith.constant 192 : i32
      %dma_start3A_123 = arith.constant 0 : i32
      %dma_start3A_124 = tpu.memref_slice %arg11[%dma_start3A_122, %dma_start3A_123] : memref<832x128xf32, #tpu.memory_space<vmem>> -> memref<64x128xf32, #tpu.memory_space<vmem>>
      %dma_start3A_125 = arith.constant 0 : i32
      %dma_start3A_126 = tpu.memref_slice %arg3[%dma_start3A_125, %multiple_of3A_121] : memref<64x1000000xf32, #tpu.memory_space<hbm>> -> memref<64x128xf32, #tpu.memory_space<hbm>>
      %dma_start3A_127 = arith.constant 192 : i32
      %dma_start3A_128 = arith.constant 0 : i32
      %dma_start3A_129 = tpu.memref_slice %arg11[%dma_start3A_127, %dma_start3A_128] : memref<832x128xf32, #tpu.memory_space<vmem>> -> memref<64x128xf32, #tpu.memory_space<vmem>>
      %dma_start3A_130 = arith.constant 0 : i32
      %dma_start3A_131 = tpu.memref_slice %arg3[%dma_start3A_130, %multiple_of3A_121] : memref<64x1000000xf32, #tpu.memory_space<hbm>> -> memref<64x128xf32, #tpu.memory_space<hbm>>
      tpu.enqueue_dma source(%dma_start3A_131 : memref<64x128xf32, #tpu.memory_space<hbm>>) target(%dma_start3A_129 : memref<64x128xf32, #tpu.memory_space<vmem>>) target_semaphore(%arg16 : memref<!tpu.dma_semaphore, #tpu.memory_space<semaphore_mem>>)
      %slice3A_132 = vector.extract_strided_slice %select_n3A {offsets = [4], sizes = [1], strides = [1]} : vector<16xi32> to vector<1xi32>
      %squeeze3A_133 = vector.extract %slice3A_132[0] : i32 from vector<1xi32>
      %shift_right_arithmetic3A_134 = arith.constant 7 : i32
      %shift_right_arithmetic3A_135 = arith.shrsi %squeeze3A_133, %shift_right_arithmetic3A_134 : i32
      %shift_left3A_136 = arith.constant 7 : i32
      %shift_left3A_137 = arith.shli %shift_right_arithmetic3A_135, %shift_left3A_136 : i32
      %multiple_of3A_138 = tpu.assume_multiple %shift_left3A_137, 128 : i32
      %dma_start3A_139 = arith.constant 256 : i32
      %dma_start3A_140 = arith.constant 0 : i32
      %dma_start3A_141 = tpu.memref_slice %arg11[%dma_start3A_139, %dma_start3A_140] : memref<832x128xf32, #tpu.memory_space<vmem>> -> memref<64x128xf32, #tpu.memory_space<vmem>>
      %dma_start3A_142 = arith.constant 0 : i32
      %dma_start3A_143 = tpu.memref_slice %arg3[%dma_start3A_142, %multiple_of3A_138] : memref<64x1000000xf32, #tpu.memory_space<hbm>> -> memref<64x128xf32, #tpu.memory_space<hbm>>
      %dma_start3A_144 = arith.constant 256 : i32
      %dma_start3A_145 = arith.constant 0 : i32
      %dma_start3A_146 = tpu.memref_slice %arg11[%dma_start3A_144, %dma_start3A_145] : memref<832x128xf32, #tpu.memory_space<vmem>> -> memref<64x128xf32, #tpu.memory_space<vmem>>
      %dma_start3A_147 = arith.constant 0 : i32
      %dma_start3A_148 = tpu.memref_slice %arg3[%dma_start3A_147, %multiple_of3A_138] : memref<64x1000000xf32, #tpu.memory_space<hbm>> -> memref<64x128xf32, #tpu.memory_space<hbm>>
      tpu.enqueue_dma source(%dma_start3A_148 : memref<64x128xf32, #tpu.memory_space<hbm>>) target(%dma_start3A_146 : memref<64x128xf32, #tpu.memory_space<vmem>>) target_semaphore(%arg16 : memref<!tpu.dma_semaphore, #tpu.memory_space<semaphore_mem>>)
      %slice3A_149 = vector.extract_strided_slice %select_n3A {offsets = [5], sizes = [1], strides = [1]} : vector<16xi32> to vector<1xi32>
      %squeeze3A_150 = vector.extract %slice3A_149[0] : i32 from vector<1xi32>
      %shift_right_arithmetic3A_151 = arith.constant 7 : i32
      %shift_right_arithmetic3A_152 = arith.shrsi %squeeze3A_150, %shift_right_arithmetic3A_151 : i32
      %shift_left3A_153 = arith.constant 7 : i32
      %shift_left3A_154 = arith.shli %shift_right_arithmetic3A_152, %shift_left3A_153 : i32
      %multiple_of3A_155 = tpu.assume_multiple %shift_left3A_154, 128 : i32
      %dma_start3A_156 = arith.constant 320 : i32
      %dma_start3A_157 = arith.constant 0 : i32
      %dma_start3A_158 = tpu.memref_slice %arg11[%dma_start3A_156, %dma_start3A_157] : memref<832x128xf32, #tpu.memory_space<vmem>> -> memref<64x128xf32, #tpu.memory_space<vmem>>
      %dma_start3A_159 = arith.constant 0 : i32
      %dma_start3A_160 = tpu.memref_slice %arg3[%dma_start3A_159, %multiple_of3A_155] : memref<64x1000000xf32, #tpu.memory_space<hbm>> -> memref<64x128xf32, #tpu.memory_space<hbm>>
      %dma_start3A_161 = arith.constant 320 : i32
      %dma_start3A_162 = arith.constant 0 : i32
      %dma_start3A_163 = tpu.memref_slice %arg11[%dma_start3A_161, %dma_start3A_162] : memref<832x128xf32, #tpu.memory_space<vmem>> -> memref<64x128xf32, #tpu.memory_space<vmem>>
      %dma_start3A_164 = arith.constant 0 : i32
      %dma_start3A_165 = tpu.memref_slice %arg3[%dma_start3A_164, %multiple_of3A_155] : memref<64x1000000xf32, #tpu.memory_space<hbm>> -> memref<64x128xf32, #tpu.memory_space<hbm>>
      tpu.enqueue_dma source(%dma_start3A_165 : memref<64x128xf32, #tpu.memory_space<hbm>>) target(%dma_start3A_163 : memref<64x128xf32, #tpu.memory_space<vmem>>) target_semaphore(%arg16 : memref<!tpu.dma_semaphore, #tpu.memory_space<semaphore_mem>>)
      %slice3A_166 = vector.extract_strided_slice %select_n3A {offsets = [6], sizes = [1], strides = [1]} : vector<16xi32> to vector<1xi32>
      %squeeze3A_167 = vector.extract %slice3A_166[0] : i32 from vector<1xi32>
      %shift_right_arithmetic3A_168 = arith.constant 7 : i32
      %shift_right_arithmetic3A_169 = arith.shrsi %squeeze3A_167, %shift_right_arithmetic3A_168 : i32
      %shift_left3A_170 = arith.constant 7 : i32
      %shift_left3A_171 = arith.shli %shift_right_arithmetic3A_169, %shift_left3A_170 : i32
      %multiple_of3A_172 = tpu.assume_multiple %shift_left3A_171, 128 : i32
      %dma_start3A_173 = arith.constant 384 : i32
      %dma_start3A_174 = arith.constant 0 : i32
      %dma_start3A_175 = tpu.memref_slice %arg11[%dma_start3A_173, %dma_start3A_174] : memref<832x128xf32, #tpu.memory_space<vmem>> -> memref<64x128xf32, #tpu.memory_space<vmem>>
      %dma_start3A_176 = arith.constant 0 : i32
      %dma_start3A_177 = tpu.memref_slice %arg3[%dma_start3A_176, %multiple_of3A_172] : memref<64x1000000xf32, #tpu.memory_space<hbm>> -> memref<64x128xf32, #tpu.memory_space<hbm>>
      %dma_start3A_178 = arith.constant 384 : i32
      %dma_start3A_179 = arith.constant 0 : i32
      %dma_start3A_180 = tpu.memref_slice %arg11[%dma_start3A_178, %dma_start3A_179] : memref<832x128xf32, #tpu.memory_space<vmem>> -> memref<64x128xf32, #tpu.memory_space<vmem>>
      %dma_start3A_181 = arith.constant 0 : i32
      %dma_start3A_182 = tpu.memref_slice %arg3[%dma_start3A_181, %multiple_of3A_172] : memref<64x1000000xf32, #tpu.memory_space<hbm>> -> memref<64x128xf32, #tpu.memory_space<hbm>>
      tpu.enqueue_dma source(%dma_start3A_182 : memref<64x128xf32, #tpu.memory_space<hbm>>) target(%dma_start3A_180 : memref<64x128xf32, #tpu.memory_space<vmem>>) target_semaphore(%arg16 : memref<!tpu.dma_semaphore, #tpu.memory_space<semaphore_mem>>)
      %slice3A_183 = vector.extract_strided_slice %select_n3A {offsets = [7], sizes = [1], strides = [1]} : vector<16xi32> to vector<1xi32>
      %squeeze3A_184 = vector.extract %slice3A_183[0] : i32 from vector<1xi32>
      %shift_right_arithmetic3A_185 = arith.constant 7 : i32
      %shift_right_arithmetic3A_186 = arith.shrsi %squeeze3A_184, %shift_right_arithmetic3A_185 : i32
      %shift_left3A_187 = arith.constant 7 : i32
      %shift_left3A_188 = arith.shli %shift_right_arithmetic3A_186, %shift_left3A_187 : i32
      %multiple_of3A_189 = tpu.assume_multiple %shift_left3A_188, 128 : i32
      %dma_start3A_190 = arith.constant 448 : i32
      %dma_start3A_191 = arith.constant 0 : i32
      %dma_start3A_192 = tpu.memref_slice %arg11[%dma_start3A_190, %dma_start3A_191] : memref<832x128xf32, #tpu.memory_space<vmem>> -> memref<64x128xf32, #tpu.memory_space<vmem>>
      %dma_start3A_193 = arith.constant 0 : i32
      %dma_start3A_194 = tpu.memref_slice %arg3[%dma_start3A_193, %multiple_of3A_189] : memref<64x1000000xf32, #tpu.memory_space<hbm>> -> memref<64x128xf32, #tpu.memory_space<hbm>>
      %dma_start3A_195 = arith.constant 448 : i32
      %dma_start3A_196 = arith.constant 0 : i32
      %dma_start3A_197 = tpu.memref_slice %arg11[%dma_start3A_195, %dma_start3A_196] : memref<832x128xf32, #tpu.memory_space<vmem>> -> memref<64x128xf32, #tpu.memory_space<vmem>>
      %dma_start3A_198 = arith.constant 0 : i32
      %dma_start3A_199 = tpu.memref_slice %arg3[%dma_start3A_198, %multiple_of3A_189] : memref<64x1000000xf32, #tpu.memory_space<hbm>> -> memref<64x128xf32, #tpu.memory_space<hbm>>
      tpu.enqueue_dma source(%dma_start3A_199 : memref<64x128xf32, #tpu.memory_space<hbm>>) target(%dma_start3A_197 : memref<64x128xf32, #tpu.memory_space<vmem>>) target_semaphore(%arg16 : memref<!tpu.dma_semaphore, #tpu.memory_space<semaphore_mem>>)
      %slice3A_200 = vector.extract_strided_slice %select_n3A {offsets = [8], sizes = [1], strides = [1]} : vector<16xi32> to vector<1xi32>
      %squeeze3A_201 = vector.extract %slice3A_200[0] : i32 from vector<1xi32>
      %shift_right_arithmetic3A_202 = arith.constant 7 : i32
      %shift_right_arithmetic3A_203 = arith.shrsi %squeeze3A_201, %shift_right_arithmetic3A_202 : i32
      %shift_left3A_204 = arith.constant 7 : i32
      %shift_left3A_205 = arith.shli %shift_right_arithmetic3A_203, %shift_left3A_204 : i32
      %multiple_of3A_206 = tpu.assume_multiple %shift_left3A_205, 128 : i32
      %dma_start3A_207 = arith.constant 512 : i32
      %dma_start3A_208 = arith.constant 0 : i32
      %dma_start3A_209 = tpu.memref_slice %arg11[%dma_start3A_207, %dma_start3A_208] : memref<832x128xf32, #tpu.memory_space<vmem>> -> memref<64x128xf32, #tpu.memory_space<vmem>>
      %dma_start3A_210 = arith.constant 0 : i32
      %dma_start3A_211 = tpu.memref_slice %arg3[%dma_start3A_210, %multiple_of3A_206] : memref<64x1000000xf32, #tpu.memory_space<hbm>> -> memref<64x128xf32, #tpu.memory_space<hbm>>
      %dma_start3A_212 = arith.constant 512 : i32
      %dma_start3A_213 = arith.constant 0 : i32
      %dma_start3A_214 = tpu.memref_slice %arg11[%dma_start3A_212, %dma_start3A_213] : memref<832x128xf32, #tpu.memory_space<vmem>> -> memref<64x128xf32, #tpu.memory_space<vmem>>
      %dma_start3A_215 = arith.constant 0 : i32
      %dma_start3A_216 = tpu.memref_slice %arg3[%dma_start3A_215, %multiple_of3A_206] : memref<64x1000000xf32, #tpu.memory_space<hbm>> -> memref<64x128xf32, #tpu.memory_space<hbm>>
      tpu.enqueue_dma source(%dma_start3A_216 : memref<64x128xf32, #tpu.memory_space<hbm>>) target(%dma_start3A_214 : memref<64x128xf32, #tpu.memory_space<vmem>>) target_semaphore(%arg16 : memref<!tpu.dma_semaphore, #tpu.memory_space<semaphore_mem>>)
      %slice3A_217 = vector.extract_strided_slice %select_n3A {offsets = [9], sizes = [1], strides = [1]} : vector<16xi32> to vector<1xi32>
      %squeeze3A_218 = vector.extract %slice3A_217[0] : i32 from vector<1xi32>
      %shift_right_arithmetic3A_219 = arith.constant 7 : i32
      %shift_right_arithmetic3A_220 = arith.shrsi %squeeze3A_218, %shift_right_arithmetic3A_219 : i32
      %shift_left3A_221 = arith.constant 7 : i32
      %shift_left3A_222 = arith.shli %shift_right_arithmetic3A_220, %shift_left3A_221 : i32
      %multiple_of3A_223 = tpu.assume_multiple %shift_left3A_222, 128 : i32
      %dma_start3A_224 = arith.constant 576 : i32
      %dma_start3A_225 = arith.constant 0 : i32
      %dma_start3A_226 = tpu.memref_slice %arg11[%dma_start3A_224, %dma_start3A_225] : memref<832x128xf32, #tpu.memory_space<vmem>> -> memref<64x128xf32, #tpu.memory_space<vmem>>
      %dma_start3A_227 = arith.constant 0 : i32
      %dma_start3A_228 = tpu.memref_slice %arg3[%dma_start3A_227, %multiple_of3A_223] : memref<64x1000000xf32, #tpu.memory_space<hbm>> -> memref<64x128xf32, #tpu.memory_space<hbm>>
      %dma_start3A_229 = arith.constant 576 : i32
      %dma_start3A_230 = arith.constant 0 : i32
      %dma_start3A_231 = tpu.memref_slice %arg11[%dma_start3A_229, %dma_start3A_230] : memref<832x128xf32, #tpu.memory_space<vmem>> -> memref<64x128xf32, #tpu.memory_space<vmem>>
      %dma_start3A_232 = arith.constant 0 : i32
      %dma_start3A_233 = tpu.memref_slice %arg3[%dma_start3A_232, %multiple_of3A_223] : memref<64x1000000xf32, #tpu.memory_space<hbm>> -> memref<64x128xf32, #tpu.memory_space<hbm>>
      tpu.enqueue_dma source(%dma_start3A_233 : memref<64x128xf32, #tpu.memory_space<hbm>>) target(%dma_start3A_231 : memref<64x128xf32, #tpu.memory_space<vmem>>) target_semaphore(%arg16 : memref<!tpu.dma_semaphore, #tpu.memory_space<semaphore_mem>>)
      %slice3A_234 = vector.extract_strided_slice %select_n3A {offsets = [10], sizes = [1], strides = [1]} : vector<16xi32> to vector<1xi32>
      %squeeze3A_235 = vector.extract %slice3A_234[0] : i32 from vector<1xi32>
      %shift_right_arithmetic3A_236 = arith.constant 7 : i32
      %shift_right_arithmetic3A_237 = arith.shrsi %squeeze3A_235, %shift_right_arithmetic3A_236 : i32
      %shift_left3A_238 = arith.constant 7 : i32
      %shift_left3A_239 = arith.shli %shift_right_arithmetic3A_237, %shift_left3A_238 : i32
      %multiple_of3A_240 = tpu.assume_multiple %shift_left3A_239, 128 : i32
      %dma_start3A_241 = arith.constant 640 : i32
      %dma_start3A_242 = arith.constant 0 : i32
      %dma_start3A_243 = tpu.memref_slice %arg11[%dma_start3A_241, %dma_start3A_242] : memref<832x128xf32, #tpu.memory_space<vmem>> -> memref<64x128xf32, #tpu.memory_space<vmem>>
      %dma_start3A_244 = arith.constant 0 : i32
      %dma_start3A_245 = tpu.memref_slice %arg3[%dma_start3A_244, %multiple_of3A_240] : memref<64x1000000xf32, #tpu.memory_space<hbm>> -> memref<64x128xf32, #tpu.memory_space<hbm>>
      %dma_start3A_246 = arith.constant 640 : i32
      %dma_start3A_247 = arith.constant 0 : i32
      %dma_start3A_248 = tpu.memref_slice %arg11[%dma_start3A_246, %dma_start3A_247] : memref<832x128xf32, #tpu.memory_space<vmem>> -> memref<64x128xf32, #tpu.memory_space<vmem>>
      %dma_start3A_249 = arith.constant 0 : i32
      %dma_start3A_250 = tpu.memref_slice %arg3[%dma_start3A_249, %multiple_of3A_240] : memref<64x1000000xf32, #tpu.memory_space<hbm>> -> memref<64x128xf32, #tpu.memory_space<hbm>>
      tpu.enqueue_dma source(%dma_start3A_250 : memref<64x128xf32, #tpu.memory_space<hbm>>) target(%dma_start3A_248 : memref<64x128xf32, #tpu.memory_space<vmem>>) target_semaphore(%arg16 : memref<!tpu.dma_semaphore, #tpu.memory_space<semaphore_mem>>)
      %slice3A_251 = vector.extract_strided_slice %select_n3A {offsets = [11], sizes = [1], strides = [1]} : vector<16xi32> to vector<1xi32>
      %squeeze3A_252 = vector.extract %slice3A_251[0] : i32 from vector<1xi32>
      %shift_right_arithmetic3A_253 = arith.constant 7 : i32
      %shift_right_arithmetic3A_254 = arith.shrsi %squeeze3A_252, %shift_right_arithmetic3A_253 : i32
      %shift_left3A_255 = arith.constant 7 : i32
      %shift_left3A_256 = arith.shli %shift_right_arithmetic3A_254, %shift_left3A_255 : i32
      %multiple_of3A_257 = tpu.assume_multiple %shift_left3A_256, 128 : i32
      %dma_start3A_258 = arith.constant 704 : i32
      %dma_start3A_259 = arith.constant 0 : i32
      %dma_start3A_260 = tpu.memref_slice %arg11[%dma_start3A_258, %dma_start3A_259] : memref<832x128xf32, #tpu.memory_space<vmem>> -> memref<64x128xf32, #tpu.memory_space<vmem>>
      %dma_start3A_261 = arith.constant 0 : i32
      %dma_start3A_262 = tpu.memref_slice %arg3[%dma_start3A_261, %multiple_of3A_257] : memref<64x1000000xf32, #tpu.memory_space<hbm>> -> memref<64x128xf32, #tpu.memory_space<hbm>>
      %dma_start3A_263 = arith.constant 704 : i32
      %dma_start3A_264 = arith.constant 0 : i32
      %dma_start3A_265 = tpu.memref_slice %arg11[%dma_start3A_263, %dma_start3A_264] : memref<832x128xf32, #tpu.memory_space<vmem>> -> memref<64x128xf32, #tpu.memory_space<vmem>>
      %dma_start3A_266 = arith.constant 0 : i32
      %dma_start3A_267 = tpu.memref_slice %arg3[%dma_start3A_266, %multiple_of3A_257] : memref<64x1000000xf32, #tpu.memory_space<hbm>> -> memref<64x128xf32, #tpu.memory_space<hbm>>
      tpu.enqueue_dma source(%dma_start3A_267 : memref<64x128xf32, #tpu.memory_space<hbm>>) target(%dma_start3A_265 : memref<64x128xf32, #tpu.memory_space<vmem>>) target_semaphore(%arg16 : memref<!tpu.dma_semaphore, #tpu.memory_space<semaphore_mem>>)
      %slice3A_268 = vector.extract_strided_slice %select_n3A {offsets = [12], sizes = [1], strides = [1]} : vector<16xi32> to vector<1xi32>
      %squeeze3A_269 = vector.extract %slice3A_268[0] : i32 from vector<1xi32>
      %shift_right_arithmetic3A_270 = arith.constant 7 : i32
      %shift_right_arithmetic3A_271 = arith.shrsi %squeeze3A_269, %shift_right_arithmetic3A_270 : i32
      %shift_left3A_272 = arith.constant 7 : i32
      %shift_left3A_273 = arith.shli %shift_right_arithmetic3A_271, %shift_left3A_272 : i32
      %multiple_of3A_274 = tpu.assume_multiple %shift_left3A_273, 128 : i32
      %dma_start3A_275 = arith.constant 768 : i32
      %dma_start3A_276 = arith.constant 0 : i32
      %dma_start3A_277 = tpu.memref_slice %arg11[%dma_start3A_275, %dma_start3A_276] : memref<832x128xf32, #tpu.memory_space<vmem>> -> memref<64x128xf32, #tpu.memory_space<vmem>>
      %dma_start3A_278 = arith.constant 0 : i32
      %dma_start3A_279 = tpu.memref_slice %arg3[%dma_start3A_278, %multiple_of3A_274] : memref<64x1000000xf32, #tpu.memory_space<hbm>> -> memref<64x128xf32, #tpu.memory_space<hbm>>
      %dma_start3A_280 = arith.constant 768 : i32
      %dma_start3A_281 = arith.constant 0 : i32
      %dma_start3A_282 = tpu.memref_slice %arg11[%dma_start3A_280, %dma_start3A_281] : memref<832x128xf32, #tpu.memory_space<vmem>> -> memref<64x128xf32, #tpu.memory_space<vmem>>
      %dma_start3A_283 = arith.constant 0 : i32
      %dma_start3A_284 = tpu.memref_slice %arg3[%dma_start3A_283, %multiple_of3A_274] : memref<64x1000000xf32, #tpu.memory_space<hbm>> -> memref<64x128xf32, #tpu.memory_space<hbm>>
      tpu.enqueue_dma source(%dma_start3A_284 : memref<64x128xf32, #tpu.memory_space<hbm>>) target(%dma_start3A_282 : memref<64x128xf32, #tpu.memory_space<vmem>>) target_semaphore(%arg16 : memref<!tpu.dma_semaphore, #tpu.memory_space<semaphore_mem>>)
      %dma_wait3A_285 = arith.constant 0 : i32
      %dma_wait3A_286 = tpu.memref_slice %arg2[%dma_wait3A_285, %multiple_of3A] : memref<64x1000000xf32, #tpu.memory_space<hbm>> -> memref<64x128xf32, #tpu.memory_space<hbm>>
      %dma_wait3A_287 = arith.constant 0 : i32
      %dma_wait3A_288 = tpu.memref_slice %arg2[%dma_wait3A_287, %multiple_of3A] : memref<64x1000000xf32, #tpu.memory_space<hbm>> -> memref<64x128xf32, #tpu.memory_space<hbm>>
      tpu.wait_dma2 semaphore(%arg16 : memref<!tpu.dma_semaphore, #tpu.memory_space<semaphore_mem>>) src(%dma_wait3A_288 : memref<64x128xf32, #tpu.memory_space<hbm>>) dst(%arg10 : memref<64x128xf32, #tpu.memory_space<vmem>>)
      %dma_wait3A_289 = arith.constant 0 : i32
      %dma_wait3A_290 = arith.constant 0 : i32
      %dma_wait3A_291 = tpu.memref_slice %arg11[%dma_wait3A_289, %dma_wait3A_290] : memref<832x128xf32, #tpu.memory_space<vmem>> -> memref<64x128xf32, #tpu.memory_space<vmem>>
      %dma_wait3A_292 = arith.constant 0 : i32
      %dma_wait3A_293 = tpu.memref_slice %arg3[%dma_wait3A_292, %multiple_of3A_70] : memref<64x1000000xf32, #tpu.memory_space<hbm>> -> memref<64x128xf32, #tpu.memory_space<hbm>>
      %dma_wait3A_294 = arith.constant 0 : i32
      %dma_wait3A_295 = arith.constant 0 : i32
      %dma_wait3A_296 = tpu.memref_slice %arg11[%dma_wait3A_294, %dma_wait3A_295] : memref<832x128xf32, #tpu.memory_space<vmem>> -> memref<64x128xf32, #tpu.memory_space<vmem>>
      %dma_wait3A_297 = arith.constant 0 : i32
      %dma_wait3A_298 = tpu.memref_slice %arg3[%dma_wait3A_297, %multiple_of3A_70] : memref<64x1000000xf32, #tpu.memory_space<hbm>> -> memref<64x128xf32, #tpu.memory_space<hbm>>
      tpu.wait_dma2 semaphore(%arg16 : memref<!tpu.dma_semaphore, #tpu.memory_space<semaphore_mem>>) src(%dma_wait3A_298 : memref<64x128xf32, #tpu.memory_space<hbm>>) dst(%dma_wait3A_296 : memref<64x128xf32, #tpu.memory_space<vmem>>)
      %dma_wait3A_299 = arith.constant 64 : i32
      %dma_wait3A_300 = arith.constant 0 : i32
      %dma_wait3A_301 = tpu.memref_slice %arg11[%dma_wait3A_299, %dma_wait3A_300] : memref<832x128xf32, #tpu.memory_space<vmem>> -> memref<64x128xf32, #tpu.memory_space<vmem>>
      %dma_wait3A_302 = arith.constant 0 : i32
      %dma_wait3A_303 = tpu.memref_slice %arg3[%dma_wait3A_302, %multiple_of3A_87] : memref<64x1000000xf32, #tpu.memory_space<hbm>> -> memref<64x128xf32, #tpu.memory_space<hbm>>
      %dma_wait3A_304 = arith.constant 64 : i32
      %dma_wait3A_305 = arith.constant 0 : i32
      %dma_wait3A_306 = tpu.memref_slice %arg11[%dma_wait3A_304, %dma_wait3A_305] : memref<832x128xf32, #tpu.memory_space<vmem>> -> memref<64x128xf32, #tpu.memory_space<vmem>>
      %dma_wait3A_307 = arith.constant 0 : i32
      %dma_wait3A_308 = tpu.memref_slice %arg3[%dma_wait3A_307, %multiple_of3A_87] : memref<64x1000000xf32, #tpu.memory_space<hbm>> -> memref<64x128xf32, #tpu.memory_space<hbm>>
      tpu.wait_dma2 semaphore(%arg16 : memref<!tpu.dma_semaphore, #tpu.memory_space<semaphore_mem>>) src(%dma_wait3A_308 : memref<64x128xf32, #tpu.memory_space<hbm>>) dst(%dma_wait3A_306 : memref<64x128xf32, #tpu.memory_space<vmem>>)
      %dma_wait3A_309 = arith.constant 128 : i32
      %dma_wait3A_310 = arith.constant 0 : i32
      %dma_wait3A_311 = tpu.memref_slice %arg11[%dma_wait3A_309, %dma_wait3A_310] : memref<832x128xf32, #tpu.memory_space<vmem>> -> memref<64x128xf32, #tpu.memory_space<vmem>>
      %dma_wait3A_312 = arith.constant 0 : i32
      %dma_wait3A_313 = tpu.memref_slice %arg3[%dma_wait3A_312, %multiple_of3A_104] : memref<64x1000000xf32, #tpu.memory_space<hbm>> -> memref<64x128xf32, #tpu.memory_space<hbm>>
      %dma_wait3A_314 = arith.constant 128 : i32
      %dma_wait3A_315 = arith.constant 0 : i32
      %dma_wait3A_316 = tpu.memref_slice %arg11[%dma_wait3A_314, %dma_wait3A_315] : memref<832x128xf32, #tpu.memory_space<vmem>> -> memref<64x128xf32, #tpu.memory_space<vmem>>
      %dma_wait3A_317 = arith.constant 0 : i32
      %dma_wait3A_318 = tpu.memref_slice %arg3[%dma_wait3A_317, %multiple_of3A_104] : memref<64x1000000xf32, #tpu.memory_space<hbm>> -> memref<64x128xf32, #tpu.memory_space<hbm>>
      tpu.wait_dma2 semaphore(%arg16 : memref<!tpu.dma_semaphore, #tpu.memory_space<semaphore_mem>>) src(%dma_wait3A_318 : memref<64x128xf32, #tpu.memory_space<hbm>>) dst(%dma_wait3A_316 : memref<64x128xf32, #tpu.memory_space<vmem>>)
      %dma_wait3A_319 = arith.constant 192 : i32
      %dma_wait3A_320 = arith.constant 0 : i32
      %dma_wait3A_321 = tpu.memref_slice %arg11[%dma_wait3A_319, %dma_wait3A_320] : memref<832x128xf32, #tpu.memory_space<vmem>> -> memref<64x128xf32, #tpu.memory_space<vmem>>
      %dma_wait3A_322 = arith.constant 0 : i32
      %dma_wait3A_323 = tpu.memref_slice %arg3[%dma_wait3A_322, %multiple_of3A_121] : memref<64x1000000xf32, #tpu.memory_space<hbm>> -> memref<64x128xf32, #tpu.memory_space<hbm>>
      %dma_wait3A_324 = arith.constant 192 : i32
      %dma_wait3A_325 = arith.constant 0 : i32
      %dma_wait3A_326 = tpu.memref_slice %arg11[%dma_wait3A_324, %dma_wait3A_325] : memref<832x128xf32, #tpu.memory_space<vmem>> -> memref<64x128xf32, #tpu.memory_space<vmem>>
      %dma_wait3A_327 = arith.constant 0 : i32
      %dma_wait3A_328 = tpu.memref_slice %arg3[%dma_wait3A_327, %multiple_of3A_121] : memref<64x1000000xf32, #tpu.memory_space<hbm>> -> memref<64x128xf32, #tpu.memory_space<hbm>>
      tpu.wait_dma2 semaphore(%arg16 : memref<!tpu.dma_semaphore, #tpu.memory_space<semaphore_mem>>) src(%dma_wait3A_328 : memref<64x128xf32, #tpu.memory_space<hbm>>) dst(%dma_wait3A_326 : memref<64x128xf32, #tpu.memory_space<vmem>>)
      %dma_wait3A_329 = arith.constant 256 : i32
      %dma_wait3A_330 = arith.constant 0 : i32
      %dma_wait3A_331 = tpu.memref_slice %arg11[%dma_wait3A_329, %dma_wait3A_330] : memref<832x128xf32, #tpu.memory_space<vmem>> -> memref<64x128xf32, #tpu.memory_space<vmem>>
      %dma_wait3A_332 = arith.constant 0 : i32
      %dma_wait3A_333 = tpu.memref_slice %arg3[%dma_wait3A_332, %multiple_of3A_138] : memref<64x1000000xf32, #tpu.memory_space<hbm>> -> memref<64x128xf32, #tpu.memory_space<hbm>>
      %dma_wait3A_334 = arith.constant 256 : i32
      %dma_wait3A_335 = arith.constant 0 : i32
      %dma_wait3A_336 = tpu.memref_slice %arg11[%dma_wait3A_334, %dma_wait3A_335] : memref<832x128xf32, #tpu.memory_space<vmem>> -> memref<64x128xf32, #tpu.memory_space<vmem>>
      %dma_wait3A_337 = arith.constant 0 : i32
      %dma_wait3A_338 = tpu.memref_slice %arg3[%dma_wait3A_337, %multiple_of3A_138] : memref<64x1000000xf32, #tpu.memory_space<hbm>> -> memref<64x128xf32, #tpu.memory_space<hbm>>
      tpu.wait_dma2 semaphore(%arg16 : memref<!tpu.dma_semaphore, #tpu.memory_space<semaphore_mem>>) src(%dma_wait3A_338 : memref<64x128xf32, #tpu.memory_space<hbm>>) dst(%dma_wait3A_336 : memref<64x128xf32, #tpu.memory_space<vmem>>)
      %dma_wait3A_339 = arith.constant 320 : i32
      %dma_wait3A_340 = arith.constant 0 : i32
      %dma_wait3A_341 = tpu.memref_slice %arg11[%dma_wait3A_339, %dma_wait3A_340] : memref<832x128xf32, #tpu.memory_space<vmem>> -> memref<64x128xf32, #tpu.memory_space<vmem>>
      %dma_wait3A_342 = arith.constant 0 : i32
      %dma_wait3A_343 = tpu.memref_slice %arg3[%dma_wait3A_342, %multiple_of3A_155] : memref<64x1000000xf32, #tpu.memory_space<hbm>> -> memref<64x128xf32, #tpu.memory_space<hbm>>
      %dma_wait3A_344 = arith.constant 320 : i32
      %dma_wait3A_345 = arith.constant 0 : i32
      %dma_wait3A_346 = tpu.memref_slice %arg11[%dma_wait3A_344, %dma_wait3A_345] : memref<832x128xf32, #tpu.memory_space<vmem>> -> memref<64x128xf32, #tpu.memory_space<vmem>>
      %dma_wait3A_347 = arith.constant 0 : i32
      %dma_wait3A_348 = tpu.memref_slice %arg3[%dma_wait3A_347, %multiple_of3A_155] : memref<64x1000000xf32, #tpu.memory_space<hbm>> -> memref<64x128xf32, #tpu.memory_space<hbm>>
      tpu.wait_dma2 semaphore(%arg16 : memref<!tpu.dma_semaphore, #tpu.memory_space<semaphore_mem>>) src(%dma_wait3A_348 : memref<64x128xf32, #tpu.memory_space<hbm>>) dst(%dma_wait3A_346 : memref<64x128xf32, #tpu.memory_space<vmem>>)
      %dma_wait3A_349 = arith.constant 384 : i32
      %dma_wait3A_350 = arith.constant 0 : i32
      %dma_wait3A_351 = tpu.memref_slice %arg11[%dma_wait3A_349, %dma_wait3A_350] : memref<832x128xf32, #tpu.memory_space<vmem>> -> memref<64x128xf32, #tpu.memory_space<vmem>>
      %dma_wait3A_352 = arith.constant 0 : i32
      %dma_wait3A_353 = tpu.memref_slice %arg3[%dma_wait3A_352, %multiple_of3A_172] : memref<64x1000000xf32, #tpu.memory_space<hbm>> -> memref<64x128xf32, #tpu.memory_space<hbm>>
      %dma_wait3A_354 = arith.constant 384 : i32
      %dma_wait3A_355 = arith.constant 0 : i32
      %dma_wait3A_356 = tpu.memref_slice %arg11[%dma_wait3A_354, %dma_wait3A_355] : memref<832x128xf32, #tpu.memory_space<vmem>> -> memref<64x128xf32, #tpu.memory_space<vmem>>
      %dma_wait3A_357 = arith.constant 0 : i32
      %dma_wait3A_358 = tpu.memref_slice %arg3[%dma_wait3A_357, %multiple_of3A_172] : memref<64x1000000xf32, #tpu.memory_space<hbm>> -> memref<64x128xf32, #tpu.memory_space<hbm>>
      tpu.wait_dma2 semaphore(%arg16 : memref<!tpu.dma_semaphore, #tpu.memory_space<semaphore_mem>>) src(%dma_wait3A_358 : memref<64x128xf32, #tpu.memory_space<hbm>>) dst(%dma_wait3A_356 : memref<64x128xf32, #tpu.memory_space<vmem>>)
      %dma_wait3A_359 = arith.constant 448 : i32
      %dma_wait3A_360 = arith.constant 0 : i32
      %dma_wait3A_361 = tpu.memref_slice %arg11[%dma_wait3A_359, %dma_wait3A_360] : memref<832x128xf32, #tpu.memory_space<vmem>> -> memref<64x128xf32, #tpu.memory_space<vmem>>
      %dma_wait3A_362 = arith.constant 0 : i32
      %dma_wait3A_363 = tpu.memref_slice %arg3[%dma_wait3A_362, %multiple_of3A_189] : memref<64x1000000xf32, #tpu.memory_space<hbm>> -> memref<64x128xf32, #tpu.memory_space<hbm>>
      %dma_wait3A_364 = arith.constant 448 : i32
      %dma_wait3A_365 = arith.constant 0 : i32
      %dma_wait3A_366 = tpu.memref_slice %arg11[%dma_wait3A_364, %dma_wait3A_365] : memref<832x128xf32, #tpu.memory_space<vmem>> -> memref<64x128xf32, #tpu.memory_space<vmem>>
      %dma_wait3A_367 = arith.constant 0 : i32
      %dma_wait3A_368 = tpu.memref_slice %arg3[%dma_wait3A_367, %multiple_of3A_189] : memref<64x1000000xf32, #tpu.memory_space<hbm>> -> memref<64x128xf32, #tpu.memory_space<hbm>>
      tpu.wait_dma2 semaphore(%arg16 : memref<!tpu.dma_semaphore, #tpu.memory_space<semaphore_mem>>) src(%dma_wait3A_368 : memref<64x128xf32, #tpu.memory_space<hbm>>) dst(%dma_wait3A_366 : memref<64x128xf32, #tpu.memory_space<vmem>>)
      %dma_wait3A_369 = arith.constant 512 : i32
      %dma_wait3A_370 = arith.constant 0 : i32
      %dma_wait3A_371 = tpu.memref_slice %arg11[%dma_wait3A_369, %dma_wait3A_370] : memref<832x128xf32, #tpu.memory_space<vmem>> -> memref<64x128xf32, #tpu.memory_space<vmem>>
      %dma_wait3A_372 = arith.constant 0 : i32
      %dma_wait3A_373 = tpu.memref_slice %arg3[%dma_wait3A_372, %multiple_of3A_206] : memref<64x1000000xf32, #tpu.memory_space<hbm>> -> memref<64x128xf32, #tpu.memory_space<hbm>>
      %dma_wait3A_374 = arith.constant 512 : i32
      %dma_wait3A_375 = arith.constant 0 : i32
      %dma_wait3A_376 = tpu.memref_slice %arg11[%dma_wait3A_374, %dma_wait3A_375] : memref<832x128xf32, #tpu.memory_space<vmem>> -> memref<64x128xf32, #tpu.memory_space<vmem>>
      %dma_wait3A_377 = arith.constant 0 : i32
      %dma_wait3A_378 = tpu.memref_slice %arg3[%dma_wait3A_377, %multiple_of3A_206] : memref<64x1000000xf32, #tpu.memory_space<hbm>> -> memref<64x128xf32, #tpu.memory_space<hbm>>
      tpu.wait_dma2 semaphore(%arg16 : memref<!tpu.dma_semaphore, #tpu.memory_space<semaphore_mem>>) src(%dma_wait3A_378 : memref<64x128xf32, #tpu.memory_space<hbm>>) dst(%dma_wait3A_376 : memref<64x128xf32, #tpu.memory_space<vmem>>)
      %dma_wait3A_379 = arith.constant 576 : i32
      %dma_wait3A_380 = arith.constant 0 : i32
      %dma_wait3A_381 = tpu.memref_slice %arg11[%dma_wait3A_379, %dma_wait3A_380] : memref<832x128xf32, #tpu.memory_space<vmem>> -> memref<64x128xf32, #tpu.memory_space<vmem>>
      %dma_wait3A_382 = arith.constant 0 : i32
      %dma_wait3A_383 = tpu.memref_slice %arg3[%dma_wait3A_382, %multiple_of3A_223] : memref<64x1000000xf32, #tpu.memory_space<hbm>> -> memref<64x128xf32, #tpu.memory_space<hbm>>
      %dma_wait3A_384 = arith.constant 576 : i32
      %dma_wait3A_385 = arith.constant 0 : i32
      %dma_wait3A_386 = tpu.memref_slice %arg11[%dma_wait3A_384, %dma_wait3A_385] : memref<832x128xf32, #tpu.memory_space<vmem>> -> memref<64x128xf32, #tpu.memory_space<vmem>>
      %dma_wait3A_387 = arith.constant 0 : i32
      %dma_wait3A_388 = tpu.memref_slice %arg3[%dma_wait3A_387, %multiple_of3A_223] : memref<64x1000000xf32, #tpu.memory_space<hbm>> -> memref<64x128xf32, #tpu.memory_space<hbm>>
      tpu.wait_dma2 semaphore(%arg16 : memref<!tpu.dma_semaphore, #tpu.memory_space<semaphore_mem>>) src(%dma_wait3A_388 : memref<64x128xf32, #tpu.memory_space<hbm>>) dst(%dma_wait3A_386 : memref<64x128xf32, #tpu.memory_space<vmem>>)
      %dma_wait3A_389 = arith.constant 640 : i32
      %dma_wait3A_390 = arith.constant 0 : i32
      %dma_wait3A_391 = tpu.memref_slice %arg11[%dma_wait3A_389, %dma_wait3A_390] : memref<832x128xf32, #tpu.memory_space<vmem>> -> memref<64x128xf32, #tpu.memory_space<vmem>>
      %dma_wait3A_392 = arith.constant 0 : i32
      %dma_wait3A_393 = tpu.memref_slice %arg3[%dma_wait3A_392, %multiple_of3A_240] : memref<64x1000000xf32, #tpu.memory_space<hbm>> -> memref<64x128xf32, #tpu.memory_space<hbm>>
      %dma_wait3A_394 = arith.constant 640 : i32
      %dma_wait3A_395 = arith.constant 0 : i32
      %dma_wait3A_396 = tpu.memref_slice %arg11[%dma_wait3A_394, %dma_wait3A_395] : memref<832x128xf32, #tpu.memory_space<vmem>> -> memref<64x128xf32, #tpu.memory_space<vmem>>
      %dma_wait3A_397 = arith.constant 0 : i32
      %dma_wait3A_398 = tpu.memref_slice %arg3[%dma_wait3A_397, %multiple_of3A_240] : memref<64x1000000xf32, #tpu.memory_space<hbm>> -> memref<64x128xf32, #tpu.memory_space<hbm>>
      tpu.wait_dma2 semaphore(%arg16 : memref<!tpu.dma_semaphore, #tpu.memory_space<semaphore_mem>>) src(%dma_wait3A_398 : memref<64x128xf32, #tpu.memory_space<hbm>>) dst(%dma_wait3A_396 : memref<64x128xf32, #tpu.memory_space<vmem>>)
      %dma_wait3A_399 = arith.constant 704 : i32
      %dma_wait3A_400 = arith.constant 0 : i32
      %dma_wait3A_401 = tpu.memref_slice %arg11[%dma_wait3A_399, %dma_wait3A_400] : memref<832x128xf32, #tpu.memory_space<vmem>> -> memref<64x128xf32, #tpu.memory_space<vmem>>
      %dma_wait3A_402 = arith.constant 0 : i32
      %dma_wait3A_403 = tpu.memref_slice %arg3[%dma_wait3A_402, %multiple_of3A_257] : memref<64x1000000xf32, #tpu.memory_space<hbm>> -> memref<64x128xf32, #tpu.memory_space<hbm>>
      %dma_wait3A_404 = arith.constant 704 : i32
      %dma_wait3A_405 = arith.constant 0 : i32
      %dma_wait3A_406 = tpu.memref_slice %arg11[%dma_wait3A_404, %dma_wait3A_405] : memref<832x128xf32, #tpu.memory_space<vmem>> -> memref<64x128xf32, #tpu.memory_space<vmem>>
      %dma_wait3A_407 = arith.constant 0 : i32
      %dma_wait3A_408 = tpu.memref_slice %arg3[%dma_wait3A_407, %multiple_of3A_257] : memref<64x1000000xf32, #tpu.memory_space<hbm>> -> memref<64x128xf32, #tpu.memory_space<hbm>>
      tpu.wait_dma2 semaphore(%arg16 : memref<!tpu.dma_semaphore, #tpu.memory_space<semaphore_mem>>) src(%dma_wait3A_408 : memref<64x128xf32, #tpu.memory_space<hbm>>) dst(%dma_wait3A_406 : memref<64x128xf32, #tpu.memory_space<vmem>>)
      %dma_wait3A_409 = arith.constant 768 : i32
      %dma_wait3A_410 = arith.constant 0 : i32
      %dma_wait3A_411 = tpu.memref_slice %arg11[%dma_wait3A_409, %dma_wait3A_410] : memref<832x128xf32, #tpu.memory_space<vmem>> -> memref<64x128xf32, #tpu.memory_space<vmem>>
      %dma_wait3A_412 = arith.constant 0 : i32
      %dma_wait3A_413 = tpu.memref_slice %arg3[%dma_wait3A_412, %multiple_of3A_274] : memref<64x1000000xf32, #tpu.memory_space<hbm>> -> memref<64x128xf32, #tpu.memory_space<hbm>>
      %dma_wait3A_414 = arith.constant 768 : i32
      %dma_wait3A_415 = arith.constant 0 : i32
      %dma_wait3A_416 = tpu.memref_slice %arg11[%dma_wait3A_414, %dma_wait3A_415] : memref<832x128xf32, #tpu.memory_space<vmem>> -> memref<64x128xf32, #tpu.memory_space<vmem>>
      %dma_wait3A_417 = arith.constant 0 : i32
      %dma_wait3A_418 = tpu.memref_slice %arg3[%dma_wait3A_417, %multiple_of3A_274] : memref<64x1000000xf32, #tpu.memory_space<hbm>> -> memref<64x128xf32, #tpu.memory_space<hbm>>
      tpu.wait_dma2 semaphore(%arg16 : memref<!tpu.dma_semaphore, #tpu.memory_space<semaphore_mem>>) src(%dma_wait3A_418 : memref<64x128xf32, #tpu.memory_space<hbm>>) dst(%dma_wait3A_416 : memref<64x128xf32, #tpu.memory_space<vmem>>)
      %and3A_419 = arith.constant 127 : i32
      %and3A_420 = vector.broadcast %and3A_419 : i32 to vector<16xi32>
      %and3A_421 = arith.andi %select_n3A, %and3A_420 : vector<16xi32>
      %lt3A_422 = arith.constant 13 : i32
      %lt3A_423 = vector.broadcast %lt3A_422 : i32 to vector<16xi32>
      %lt3A_424 = arith.cmpi slt, %iota3A, %lt3A_423 : vector<16xi32>
      %jit3A = arith.constant 0 : i32
      %broadcast_in_dim3A_425 = vector.broadcast %jit3A : i32 to vector<16xi32>
      %select_n3A_426 = arith.select %lt3A_424, %iota3A, %broadcast_in_dim3A_425 : vector<16xi1>, vector<16xi32>
      %mul3A_427 = arith.constant 64 : i32
      %mul3A_428 = vector.broadcast %mul3A_427 : i32 to vector<16xi32>
      %mul3A_429 = arith.muli %select_n3A_426, %mul3A_428 : vector<16xi32>
      %and3A_430 = arith.constant 127 : i32
      %and3A_431 = arith.andi %squeeze3A, %and3A_430 : i32
      %broadcast_in_dim3A_432 = vector.broadcast %and3A_431 : i32 to vector<16xi32>
      %broadcast_in_dim3A_433 = arith.constant 0.000000e+00 : f32
      %broadcast_in_dim3A_434 = vector.broadcast %broadcast_in_dim3A_433 : f32 to vector<16xf32>
      %scan3A = arith.constant 0 : i32
      %scan3A_435 = arith.constant 64 : i32
      %scan3A_436 = arith.addi %scan3A, %scan3A_435 : i32
      %scan3A_437 = arith.constant 16 : i32
      %scan3A_438 = scf.for %scan3A_496 = %scan3A to %scan3A_436 step %scan3A_437 iter_args(%scan3A_497 = %broadcast_in_dim3A_434) -> (vector<16xf32>)  : i32 {
        %broadcast_in_dim3A_498 = vector.broadcast %scan3A_496 : i32 to vector<16xi32>
        %gather3A_499 = tpu.vector_load_idx %arg10[%broadcast_in_dim3A_498, %broadcast_in_dim3A_432] : memref<64x128xf32, #tpu.memory_space<vmem>>[vector<16xi32>, vector<16xi32>], vector<16xf32>,
        %add3A_500 = arith.addi %mul3A_429, %broadcast_in_dim3A_498 : vector<16xi32>
        %gather3A_501 = tpu.vector_load_idx %arg11[%add3A_500, %and3A_421] : memref<832x128xf32, #tpu.memory_space<vmem>>[vector<16xi32>, vector<16xi32>], vector<16xf32>,
        %mul3A_502 = arith.mulf %gather3A_499, %gather3A_501 : vector<16xf32>
        %add3A_503 = arith.addf %scan3A_497, %mul3A_502 : vector<16xf32>
        %scan3A_504 = arith.constant 1 : i32
        %scan3A_505 = arith.addi %scan3A_496, %scan3A_504 : i32
        %broadcast_in_dim3A_506 = vector.broadcast %scan3A_505 : i32 to vector<16xi32>
        %gather3A_507 = tpu.vector_load_idx %arg10[%broadcast_in_dim3A_506, %broadcast_in_dim3A_432] : memref<64x128xf32, #tpu.memory_space<vmem>>[vector<16xi32>, vector<16xi32>], vector<16xf32>,
        %add3A_508 = arith.addi %mul3A_429, %broadcast_in_dim3A_506 : vector<16xi32>
        %gather3A_509 = tpu.vector_load_idx %arg11[%add3A_508, %and3A_421] : memref<832x128xf32, #tpu.memory_space<vmem>>[vector<16xi32>, vector<16xi32>], vector<16xf32>,
        %mul3A_510 = arith.mulf %gather3A_507, %gather3A_509 : vector<16xf32>
        %add3A_511 = arith.addf %add3A_503, %mul3A_510 : vector<16xf32>
        %scan3A_512 = arith.constant 2 : i32
        %scan3A_513 = arith.addi %scan3A_496, %scan3A_512 : i32
        %broadcast_in_dim3A_514 = vector.broadcast %scan3A_513 : i32 to vector<16xi32>
        %gather3A_515 = tpu.vector_load_idx %arg10[%broadcast_in_dim3A_514, %broadcast_in_dim3A_432] : memref<64x128xf32, #tpu.memory_space<vmem>>[vector<16xi32>, vector<16xi32>], vector<16xf32>,
        %add3A_516 = arith.addi %mul3A_429, %broadcast_in_dim3A_514 : vector<16xi32>
        %gather3A_517 = tpu.vector_load_idx %arg11[%add3A_516, %and3A_421] : memref<832x128xf32, #tpu.memory_space<vmem>>[vector<16xi32>, vector<16xi32>], vector<16xf32>,
        %mul3A_518 = arith.mulf %gather3A_515, %gather3A_517 : vector<16xf32>
        %add3A_519 = arith.addf %add3A_511, %mul3A_518 : vector<16xf32>
        %scan3A_520 = arith.constant 3 : i32
        %scan3A_521 = arith.addi %scan3A_496, %scan3A_520 : i32
        %broadcast_in_dim3A_522 = vector.broadcast %scan3A_521 : i32 to vector<16xi32>
        %gather3A_523 = tpu.vector_load_idx %arg10[%broadcast_in_dim3A_522, %broadcast_in_dim3A_432] : memref<64x128xf32, #tpu.memory_space<vmem>>[vector<16xi32>, vector<16xi32>], vector<16xf32>,
        %add3A_524 = arith.addi %mul3A_429, %broadcast_in_dim3A_522 : vector<16xi32>
        %gather3A_525 = tpu.vector_load_idx %arg11[%add3A_524, %and3A_421] : memref<832x128xf32, #tpu.memory_space<vmem>>[vector<16xi32>, vector<16xi32>], vector<16xf32>,
        %mul3A_526 = arith.mulf %gather3A_523, %gather3A_525 : vector<16xf32>
        %add3A_527 = arith.addf %add3A_519, %mul3A_526 : vector<16xf32>
        %scan3A_528 = arith.constant 4 : i32
        %scan3A_529 = arith.addi %scan3A_496, %scan3A_528 : i32
        %broadcast_in_dim3A_530 = vector.broadcast %scan3A_529 : i32 to vector<16xi32>
        %gather3A_531 = tpu.vector_load_idx %arg10[%broadcast_in_dim3A_530, %broadcast_in_dim3A_432] : memref<64x128xf32, #tpu.memory_space<vmem>>[vector<16xi32>, vector<16xi32>], vector<16xf32>,
        %add3A_532 = arith.addi %mul3A_429, %broadcast_in_dim3A_530 : vector<16xi32>
        %gather3A_533 = tpu.vector_load_idx %arg11[%add3A_532, %and3A_421] : memref<832x128xf32, #tpu.memory_space<vmem>>[vector<16xi32>, vector<16xi32>], vector<16xf32>,
        %mul3A_534 = arith.mulf %gather3A_531, %gather3A_533 : vector<16xf32>
        %add3A_535 = arith.addf %add3A_527, %mul3A_534 : vector<16xf32>
        %scan3A_536 = arith.constant 5 : i32
        %scan3A_537 = arith.addi %scan3A_496, %scan3A_536 : i32
        %broadcast_in_dim3A_538 = vector.broadcast %scan3A_537 : i32 to vector<16xi32>
        %gather3A_539 = tpu.vector_load_idx %arg10[%broadcast_in_dim3A_538, %broadcast_in_dim3A_432] : memref<64x128xf32, #tpu.memory_space<vmem>>[vector<16xi32>, vector<16xi32>], vector<16xf32>,
        %add3A_540 = arith.addi %mul3A_429, %broadcast_in_dim3A_538 : vector<16xi32>
        %gather3A_541 = tpu.vector_load_idx %arg11[%add3A_540, %and3A_421] : memref<832x128xf32, #tpu.memory_space<vmem>>[vector<16xi32>, vector<16xi32>], vector<16xf32>,
        %mul3A_542 = arith.mulf %gather3A_539, %gather3A_541 : vector<16xf32>
        %add3A_543 = arith.addf %add3A_535, %mul3A_542 : vector<16xf32>
        %scan3A_544 = arith.constant 6 : i32
        %scan3A_545 = arith.addi %scan3A_496, %scan3A_544 : i32
        %broadcast_in_dim3A_546 = vector.broadcast %scan3A_545 : i32 to vector<16xi32>
        %gather3A_547 = tpu.vector_load_idx %arg10[%broadcast_in_dim3A_546, %broadcast_in_dim3A_432] : memref<64x128xf32, #tpu.memory_space<vmem>>[vector<16xi32>, vector<16xi32>], vector<16xf32>,
        %add3A_548 = arith.addi %mul3A_429, %broadcast_in_dim3A_546 : vector<16xi32>
        %gather3A_549 = tpu.vector_load_idx %arg11[%add3A_548, %and3A_421] : memref<832x128xf32, #tpu.memory_space<vmem>>[vector<16xi32>, vector<16xi32>], vector<16xf32>,
        %mul3A_550 = arith.mulf %gather3A_547, %gather3A_549 : vector<16xf32>
        %add3A_551 = arith.addf %add3A_543, %mul3A_550 : vector<16xf32>
        %scan3A_552 = arith.constant 7 : i32
        %scan3A_553 = arith.addi %scan3A_496, %scan3A_552 : i32
        %broadcast_in_dim3A_554 = vector.broadcast %scan3A_553 : i32 to vector<16xi32>
        %gather3A_555 = tpu.vector_load_idx %arg10[%broadcast_in_dim3A_554, %broadcast_in_dim3A_432] : memref<64x128xf32, #tpu.memory_space<vmem>>[vector<16xi32>, vector<16xi32>], vector<16xf32>,
        %add3A_556 = arith.addi %mul3A_429, %broadcast_in_dim3A_554 : vector<16xi32>
        %gather3A_557 = tpu.vector_load_idx %arg11[%add3A_556, %and3A_421] : memref<832x128xf32, #tpu.memory_space<vmem>>[vector<16xi32>, vector<16xi32>], vector<16xf32>,
        %mul3A_558 = arith.mulf %gather3A_555, %gather3A_557 : vector<16xf32>
        %add3A_559 = arith.addf %add3A_551, %mul3A_558 : vector<16xf32>
        %scan3A_560 = arith.constant 8 : i32
        %scan3A_561 = arith.addi %scan3A_496, %scan3A_560 : i32
        %broadcast_in_dim3A_562 = vector.broadcast %scan3A_561 : i32 to vector<16xi32>
        %gather3A_563 = tpu.vector_load_idx %arg10[%broadcast_in_dim3A_562, %broadcast_in_dim3A_432] : memref<64x128xf32, #tpu.memory_space<vmem>>[vector<16xi32>, vector<16xi32>], vector<16xf32>,
        %add3A_564 = arith.addi %mul3A_429, %broadcast_in_dim3A_562 : vector<16xi32>
        %gather3A_565 = tpu.vector_load_idx %arg11[%add3A_564, %and3A_421] : memref<832x128xf32, #tpu.memory_space<vmem>>[vector<16xi32>, vector<16xi32>], vector<16xf32>,
        %mul3A_566 = arith.mulf %gather3A_563, %gather3A_565 : vector<16xf32>
        %add3A_567 = arith.addf %add3A_559, %mul3A_566 : vector<16xf32>
        %scan3A_568 = arith.constant 9 : i32
        %scan3A_569 = arith.addi %scan3A_496, %scan3A_568 : i32
        %broadcast_in_dim3A_570 = vector.broadcast %scan3A_569 : i32 to vector<16xi32>
        %gather3A_571 = tpu.vector_load_idx %arg10[%broadcast_in_dim3A_570, %broadcast_in_dim3A_432] : memref<64x128xf32, #tpu.memory_space<vmem>>[vector<16xi32>, vector<16xi32>], vector<16xf32>,
        %add3A_572 = arith.addi %mul3A_429, %broadcast_in_dim3A_570 : vector<16xi32>
        %gather3A_573 = tpu.vector_load_idx %arg11[%add3A_572, %and3A_421] : memref<832x128xf32, #tpu.memory_space<vmem>>[vector<16xi32>, vector<16xi32>], vector<16xf32>,
        %mul3A_574 = arith.mulf %gather3A_571, %gather3A_573 : vector<16xf32>
        %add3A_575 = arith.addf %add3A_567, %mul3A_574 : vector<16xf32>
        %scan3A_576 = arith.constant 10 : i32
        %scan3A_577 = arith.addi %scan3A_496, %scan3A_576 : i32
        %broadcast_in_dim3A_578 = vector.broadcast %scan3A_577 : i32 to vector<16xi32>
        %gather3A_579 = tpu.vector_load_idx %arg10[%broadcast_in_dim3A_578, %broadcast_in_dim3A_432] : memref<64x128xf32, #tpu.memory_space<vmem>>[vector<16xi32>, vector<16xi32>], vector<16xf32>,
        %add3A_580 = arith.addi %mul3A_429, %broadcast_in_dim3A_578 : vector<16xi32>
        %gather3A_581 = tpu.vector_load_idx %arg11[%add3A_580, %and3A_421] : memref<832x128xf32, #tpu.memory_space<vmem>>[vector<16xi32>, vector<16xi32>], vector<16xf32>,
        %mul3A_582 = arith.mulf %gather3A_579, %gather3A_581 : vector<16xf32>
        %add3A_583 = arith.addf %add3A_575, %mul3A_582 : vector<16xf32>
        %scan3A_584 = arith.constant 11 : i32
        %scan3A_585 = arith.addi %scan3A_496, %scan3A_584 : i32
        %broadcast_in_dim3A_586 = vector.broadcast %scan3A_585 : i32 to vector<16xi32>
        %gather3A_587 = tpu.vector_load_idx %arg10[%broadcast_in_dim3A_586, %broadcast_in_dim3A_432] : memref<64x128xf32, #tpu.memory_space<vmem>>[vector<16xi32>, vector<16xi32>], vector<16xf32>,
        %add3A_588 = arith.addi %mul3A_429, %broadcast_in_dim3A_586 : vector<16xi32>
        %gather3A_589 = tpu.vector_load_idx %arg11[%add3A_588, %and3A_421] : memref<832x128xf32, #tpu.memory_space<vmem>>[vector<16xi32>, vector<16xi32>], vector<16xf32>,
        %mul3A_590 = arith.mulf %gather3A_587, %gather3A_589 : vector<16xf32>
        %add3A_591 = arith.addf %add3A_583, %mul3A_590 : vector<16xf32>
        %scan3A_592 = arith.constant 12 : i32
        %scan3A_593 = arith.addi %scan3A_496, %scan3A_592 : i32
        %broadcast_in_dim3A_594 = vector.broadcast %scan3A_593 : i32 to vector<16xi32>
        %gather3A_595 = tpu.vector_load_idx %arg10[%broadcast_in_dim3A_594, %broadcast_in_dim3A_432] : memref<64x128xf32, #tpu.memory_space<vmem>>[vector<16xi32>, vector<16xi32>], vector<16xf32>,
        %add3A_596 = arith.addi %mul3A_429, %broadcast_in_dim3A_594 : vector<16xi32>
        %gather3A_597 = tpu.vector_load_idx %arg11[%add3A_596, %and3A_421] : memref<832x128xf32, #tpu.memory_space<vmem>>[vector<16xi32>, vector<16xi32>], vector<16xf32>,
        %mul3A_598 = arith.mulf %gather3A_595, %gather3A_597 : vector<16xf32>
        %add3A_599 = arith.addf %add3A_591, %mul3A_598 : vector<16xf32>
        %scan3A_600 = arith.constant 13 : i32
        %scan3A_601 = arith.addi %scan3A_496, %scan3A_600 : i32
        %broadcast_in_dim3A_602 = vector.broadcast %scan3A_601 : i32 to vector<16xi32>
        %gather3A_603 = tpu.vector_load_idx %arg10[%broadcast_in_dim3A_602, %broadcast_in_dim3A_432] : memref<64x128xf32, #tpu.memory_space<vmem>>[vector<16xi32>, vector<16xi32>], vector<16xf32>,
        %add3A_604 = arith.addi %mul3A_429, %broadcast_in_dim3A_602 : vector<16xi32>
        %gather3A_605 = tpu.vector_load_idx %arg11[%add3A_604, %and3A_421] : memref<832x128xf32, #tpu.memory_space<vmem>>[vector<16xi32>, vector<16xi32>], vector<16xf32>,
        %mul3A_606 = arith.mulf %gather3A_603, %gather3A_605 : vector<16xf32>
        %add3A_607 = arith.addf %add3A_599, %mul3A_606 : vector<16xf32>
        %scan3A_608 = arith.constant 14 : i32
        %scan3A_609 = arith.addi %scan3A_496, %scan3A_608 : i32
        %broadcast_in_dim3A_610 = vector.broadcast %scan3A_609 : i32 to vector<16xi32>
        %gather3A_611 = tpu.vector_load_idx %arg10[%broadcast_in_dim3A_610, %broadcast_in_dim3A_432] : memref<64x128xf32, #tpu.memory_space<vmem>>[vector<16xi32>, vector<16xi32>], vector<16xf32>,
        %add3A_612 = arith.addi %mul3A_429, %broadcast_in_dim3A_610 : vector<16xi32>
        %gather3A_613 = tpu.vector_load_idx %arg11[%add3A_612, %and3A_421] : memref<832x128xf32, #tpu.memory_space<vmem>>[vector<16xi32>, vector<16xi32>], vector<16xf32>,
        %mul3A_614 = arith.mulf %gather3A_611, %gather3A_613 : vector<16xf32>
        %add3A_615 = arith.addf %add3A_607, %mul3A_614 : vector<16xf32>
        %scan3A_616 = arith.constant 15 : i32
        %scan3A_617 = arith.addi %scan3A_496, %scan3A_616 : i32
        %broadcast_in_dim3A_618 = vector.broadcast %scan3A_617 : i32 to vector<16xi32>
        %gather3A_619 = tpu.vector_load_idx %arg10[%broadcast_in_dim3A_618, %broadcast_in_dim3A_432] : memref<64x128xf32, #tpu.memory_space<vmem>>[vector<16xi32>, vector<16xi32>], vector<16xf32>,
        %add3A_620 = arith.addi %mul3A_429, %broadcast_in_dim3A_618 : vector<16xi32>
        %gather3A_621 = tpu.vector_load_idx %arg11[%add3A_620, %and3A_421] : memref<832x128xf32, #tpu.memory_space<vmem>>[vector<16xi32>, vector<16xi32>], vector<16xf32>,
        %mul3A_622 = arith.mulf %gather3A_619, %gather3A_621 : vector<16xf32>
        %add3A_623 = arith.addf %add3A_615, %mul3A_622 : vector<16xf32>
        scf.yield %add3A_623 : vector<16xf32>
      }
      %scan3A_439 = arith.constant 64 : i32
      %mul3A_440 = arith.constant 13 : i32
      %mul3A_441 = arith.muli %arg1, %mul3A_440 : i32
      %add3A_442 = vector.broadcast %mul3A_441 : i32 to vector<16xi32>
      %add3A_443 = arith.addi %iota3A, %add3A_442 : vector<16xi32>
      %eq3A_444 = arith.constant 200 : i32
      %eq3A_445 = vector.broadcast %eq3A_444 : i32 to vector<16xi32>
      %eq3A_446 = arith.cmpi eq, %add3A_443, %eq3A_445 : vector<16xi32>
      %neg3A = arith.constant 0.000000e+00 : f32
      %neg3A_447 = vector.broadcast %neg3A : f32 to vector<16xf32>
      %neg3A_448 = arith.subf %neg3A_447, %scan3A_438 : vector<16xf32>
      %select_n3A_449 = arith.select %eq3A_446, %neg3A_448, %scan3A_438 : vector<16xi1>, vector<16xf32>
      %lt3A_450 = arith.constant 13 : i32
      %lt3A_451 = vector.broadcast %lt3A_450 : i32 to vector<16xi32>
      %lt3A_452 = arith.cmpi slt, %iota3A, %lt3A_451 : vector<16xi32>
      %lt3A_453 = arith.constant 201 : i32
      %lt3A_454 = vector.broadcast %lt3A_453 : i32 to vector<16xi32>
      %lt3A_455 = arith.cmpi slt, %add3A_443, %lt3A_454 : vector<16xi32>
      %and3A_456 = arith.andi %lt3A_452, %lt3A_455 : vector<16xi1>
      %jit3A_457 = arith.constant -1.000000e+30 : f32
      %broadcast_in_dim3A_458 = vector.broadcast %jit3A_457 : f32 to vector<16xf32>
      %select_n3A_459 = arith.select %and3A_456, %select_n3A_449, %broadcast_in_dim3A_458 : vector<16xi1>, vector<16xf32>
      %abs3A = math.absf %select_n3A_459 : vector<16xf32>
      %neg3A_460 = arith.constant 0.000000e+00 : f32
      %neg3A_461 = vector.broadcast %neg3A_460 : f32 to vector<16xf32>
      %neg3A_462 = arith.subf %neg3A_461, %abs3A : vector<16xf32>
      %exp3A = math.exp %neg3A_462 : vector<16xf32>
      %add3A_463 = arith.constant 2.000000e+00 : f32
      %add3A_464 = vector.broadcast %add3A_463 : f32 to vector<16xf32>
      %add3A_465 = arith.addf %exp3A, %add3A_464 : vector<16xf32>
      %div3A = arith.divf %exp3A, %add3A_465 : vector<16xf32>
      %mul3A_466 = arith.mulf %div3A, %div3A : vector<16xf32>
      %mul3A_467 = arith.constant 2.000000e+00 : f32
      %mul3A_468 = vector.broadcast %mul3A_467 : f32 to vector<16xf32>
      %mul3A_469 = arith.mulf %mul3A_468, %div3A : vector<16xf32>
      %mul3A_470 = arith.constant 0.111111112 : f32
      %mul3A_471 = vector.broadcast %mul3A_470 : f32 to vector<16xf32>
      %mul3A_472 = arith.mulf %mul3A_466, %mul3A_471 : vector<16xf32>
      %add3A_473 = arith.constant 0.142857149 : f32
      %add3A_474 = vector.broadcast %add3A_473 : f32 to vector<16xf32>
      %add3A_475 = arith.addf %add3A_474, %mul3A_472 : vector<16xf32>
      %mul3A_476 = arith.mulf %mul3A_466, %add3A_475 : vector<16xf32>
      %add3A_477 = arith.constant 2.000000e-01 : f32
      %add3A_478 = vector.broadcast %add3A_477 : f32 to vector<16xf32>
      %add3A_479 = arith.addf %add3A_478, %mul3A_476 : vector<16xf32>
      %mul3A_480 = arith.mulf %mul3A_466, %add3A_479 : vector<16xf32>
      %add3A_481 = arith.constant 0.333333343 : f32
      %add3A_482 = vector.broadcast %add3A_481 : f32 to vector<16xf32>
      %add3A_483 = arith.addf %add3A_482, %mul3A_480 : vector<16xf32>
      %mul3A_484 = arith.mulf %mul3A_466, %add3A_483 : vector<16xf32>
      %add3A_485 = arith.constant 1.000000e+00 : f32
      %add3A_486 = vector.broadcast %add3A_485 : f32 to vector<16xf32>
      %add3A_487 = arith.addf %add3A_486, %mul3A_484 : vector<16xf32>
      %mul3A_488 = arith.mulf %mul3A_469, %add3A_487 : vector<16xf32>
      %max3A = arith.constant 0.000000e+00 : f32
      %max3A_489 = vector.broadcast %max3A : f32 to vector<16xf32>
      %max3A_490 = arith.maximumf %select_n3A_459, %max3A_489 : vector<16xf32>
      %add3A_491 = arith.addf %max3A_490, %mul3A_488 : vector<16xf32>
      %swap3A_492 = arith.constant 0 : index
      %swap3A_493 = tpu.vector_load %arg12[%swap3A_492] {strides = array<i32>} : memref<16xf32, #tpu.memory_space<vmem>>, vector<16xf32>,
      tpu.vector_store %arg12[%swap3A_492], %add3A_491 {strides = array<i32>} : memref<16xf32, #tpu.memory_space<vmem>>, vector<16xf32>,
      %mul3A_494 = arith.constant 16 : i32
      %mul3A_495 = arith.muli %arg1, %mul3A_494 : i32
      "tpu.region"() ({
        %run_scoped3A = tpu.sem_alloc : memref<!tpu.dma_semaphore, #tpu.memory_space<semaphore_mem>>
        %dma_start3A_496 = tpu.memref_slice %arg13[%mul3A_495] : memref<256xf32, #tpu.memory_space<vmem_shared>> -> memref<16xf32, #tpu.memory_space<vmem_shared>>
        %dma_start3A_497 = tpu.memref_slice %arg13[%mul3A_495] : memref<256xf32, #tpu.memory_space<vmem_shared>> -> memref<16xf32, #tpu.memory_space<vmem_shared>>
        tpu.enqueue_dma source(%arg12 : memref<16xf32, #tpu.memory_space<vmem>>) target(%dma_start3A_497 : memref<16xf32, #tpu.memory_space<vmem_shared>>) target_semaphore(%run_scoped3A : memref<!tpu.dma_semaphore, #tpu.memory_space<semaphore_mem>>)
        %dma_wait3A_498 = tpu.memref_slice %arg13[%mul3A_495] : memref<256xf32, #tpu.memory_space<vmem_shared>> -> memref<16xf32, #tpu.memory_space<vmem_shared>>
        %dma_wait3A_499 = tpu.memref_slice %arg13[%mul3A_495] : memref<256xf32, #tpu.memory_space<vmem_shared>> -> memref<16xf32, #tpu.memory_space<vmem_shared>>
        tpu.wait_dma2 semaphore(%run_scoped3A : memref<!tpu.dma_semaphore, #tpu.memory_space<semaphore_mem>>) src(%arg12 : memref<16xf32, #tpu.memory_space<vmem>>) dst(%dma_wait3A_499 : memref<16xf32, #tpu.memory_space<vmem_shared>>)
        tpu.yield
      }) : () -> ()
    } else {
    }
    %barrier3A = arith.constant 0 : index
    tpu.barrier barrier_id(%barrier3A)
    %eq3A_2 = arith.constant 0 : i32
    %eq3A_3 = arith.cmpi eq, %arg1, %eq3A_2 : i32
    %and3A = arith.andi %eq3A_0, %eq3A_3 : i1
    %convert_element_type3A_4 = arith.extui %and3A : i1 to i32
    %cond3A_5 = arith.constant 0 : i32
    %cond3A_6 = arith.cmpi ne, %convert_element_type3A_4, %cond3A_5 : i32
    scf.if %cond3A_6 {
      "tpu.region"() ({
        %run_scoped3A_56 = tpu.sem_alloc : memref<!tpu.dma_semaphore, #tpu.memory_space<semaphore_mem>>
        tpu.enqueue_dma source(%arg13 : memref<256xf32, #tpu.memory_space<vmem_shared>>) target(%arg14 : memref<256xf32, #tpu.memory_space<vmem>>) target_semaphore(%run_scoped3A_56 : memref<!tpu.dma_semaphore, #tpu.memory_space<semaphore_mem>>)
        tpu.wait_dma2 semaphore(%run_scoped3A_56 : memref<!tpu.dma_semaphore, #tpu.memory_space<semaphore_mem>>) src(%arg13 : memref<256xf32, #tpu.memory_space<vmem_shared>>) dst(%arg14 : memref<256xf32, #tpu.memory_space<vmem>>)
        tpu.yield
      }) : () -> ()
      %get3A = arith.constant 0 : index
      %get3A_7 = tpu.vector_load %arg14[%get3A] {strides = array<i32>} : memref<256xf32, #tpu.memory_space<vmem>>, vector<16xf32>,
      %get3A_8 = arith.constant 16 : index
      %get3A_9 = tpu.vector_load %arg14[%get3A_8] {strides = array<i32>} : memref<256xf32, #tpu.memory_space<vmem>>, vector<16xf32>,
      %add3A = arith.addf %get3A_7, %get3A_9 : vector<16xf32>
      %get3A_10 = arith.constant 32 : index
      %get3A_11 = tpu.vector_load %arg14[%get3A_10] {strides = array<i32>} : memref<256xf32, #tpu.memory_space<vmem>>, vector<16xf32>,
      %add3A_12 = arith.addf %add3A, %get3A_11 : vector<16xf32>
      %get3A_13 = arith.constant 48 : index
      %get3A_14 = tpu.vector_load %arg14[%get3A_13] {strides = array<i32>} : memref<256xf32, #tpu.memory_space<vmem>>, vector<16xf32>,
      %add3A_15 = arith.addf %add3A_12, %get3A_14 : vector<16xf32>
      %get3A_16 = arith.constant 64 : index
      %get3A_17 = tpu.vector_load %arg14[%get3A_16] {strides = array<i32>} : memref<256xf32, #tpu.memory_space<vmem>>, vector<16xf32>,
      %add3A_18 = arith.addf %add3A_15, %get3A_17 : vector<16xf32>
      %get3A_19 = arith.constant 80 : index
      %get3A_20 = tpu.vector_load %arg14[%get3A_19] {strides = array<i32>} : memref<256xf32, #tpu.memory_space<vmem>>, vector<16xf32>,
      %add3A_21 = arith.addf %add3A_18, %get3A_20 : vector<16xf32>
      %get3A_22 = arith.constant 96 : index
      %get3A_23 = tpu.vector_load %arg14[%get3A_22] {strides = array<i32>} : memref<256xf32, #tpu.memory_space<vmem>>, vector<16xf32>,
      %add3A_24 = arith.addf %add3A_21, %get3A_23 : vector<16xf32>
      %get3A_25 = arith.constant 112 : index
      %get3A_26 = tpu.vector_load %arg14[%get3A_25] {strides = array<i32>} : memref<256xf32, #tpu.memory_space<vmem>>, vector<16xf32>,
      %add3A_27 = arith.addf %add3A_24, %get3A_26 : vector<16xf32>
      %get3A_28 = arith.constant 128 : index
      %get3A_29 = tpu.vector_load %arg14[%get3A_28] {strides = array<i32>} : memref<256xf32, #tpu.memory_space<vmem>>, vector<16xf32>,
      %add3A_30 = arith.addf %add3A_27, %get3A_29 : vector<16xf32>
      %get3A_31 = arith.constant 144 : index
      %get3A_32 = tpu.vector_load %arg14[%get3A_31] {strides = array<i32>} : memref<256xf32, #tpu.memory_space<vmem>>, vector<16xf32>,
      %add3A_33 = arith.addf %add3A_30, %get3A_32 : vector<16xf32>
      %get3A_34 = arith.constant 160 : index
      %get3A_35 = tpu.vector_load %arg14[%get3A_34] {strides = array<i32>} : memref<256xf32, #tpu.memory_space<vmem>>, vector<16xf32>,
      %add3A_36 = arith.addf %add3A_33, %get3A_35 : vector<16xf32>
      %get3A_37 = arith.constant 176 : index
      %get3A_38 = tpu.vector_load %arg14[%get3A_37] {strides = array<i32>} : memref<256xf32, #tpu.memory_space<vmem>>, vector<16xf32>,
      %add3A_39 = arith.addf %add3A_36, %get3A_38 : vector<16xf32>
      %get3A_40 = arith.constant 192 : index
      %get3A_41 = tpu.vector_load %arg14[%get3A_40] {strides = array<i32>} : memref<256xf32, #tpu.memory_space<vmem>>, vector<16xf32>,
      %add3A_42 = arith.addf %add3A_39, %get3A_41 : vector<16xf32>
      %get3A_43 = arith.constant 208 : index
      %get3A_44 = tpu.vector_load %arg14[%get3A_43] {strides = array<i32>} : memref<256xf32, #tpu.memory_space<vmem>>, vector<16xf32>,
      %add3A_45 = arith.addf %add3A_42, %get3A_44 : vector<16xf32>
      %get3A_46 = arith.constant 224 : index
      %get3A_47 = tpu.vector_load %arg14[%get3A_46] {strides = array<i32>} : memref<256xf32, #tpu.memory_space<vmem>>, vector<16xf32>,
      %add3A_48 = arith.addf %add3A_45, %get3A_47 : vector<16xf32>
      %get3A_49 = arith.constant 240 : index
      %get3A_50 = tpu.vector_load %arg14[%get3A_49] {strides = array<i32>} : memref<256xf32, #tpu.memory_space<vmem>>, vector<16xf32>,
      %add3A_51 = arith.addf %add3A_48, %get3A_50 : vector<16xf32>
      %reduce_sum3A = arith.constant true
      %reduce_sum3A_52 = vector.broadcast %reduce_sum3A : i1 to vector<16xi1>
      %reduce_sum3A_53 = tpu.scan <sum>, %add3A_51 masked %reduce_sum3A_52 : vector<16xf32>, vector<16xi1> -> vector<16xf32>
      %reduce_sum3A_54 = vector.extract %reduce_sum3A_53[15] : f32 from vector<16xf32>
      %broadcast_in_dim3A = vector.broadcast %reduce_sum3A_54 : f32 to vector<16xf32>
      %swap3A = arith.constant 0 : index
      %swap3A_55 = tpu.vector_load %arg15[%swap3A] {strides = array<i32>} : memref<16xf32, #tpu.memory_space<vmem>>, vector<16xf32>,
      tpu.vector_store %arg15[%swap3A], %broadcast_in_dim3A {strides = array<i32>} : memref<16xf32, #tpu.memory_space<vmem>>, vector<16xf32>,
      %run_scoped3A = arith.constant 0 : i32
      "tpu.region"() ({
        %run_scoped3A_56 = tpu.sem_alloc : memref<!tpu.dma_semaphore, #tpu.memory_space<semaphore_mem>>
        %dma_start3A = arith.constant 0 : i32
        %dma_start3A_57 = tpu.memref_slice %arg15[%dma_start3A] : memref<16xf32, #tpu.memory_space<vmem>> -> memref<1xf32, #tpu.memory_space<vmem>>
        %dma_start3A_58 = arith.constant 0 : i32
        %dma_start3A_59 = tpu.memref_slice %arg7[%run_scoped3A, %dma_start3A_58] : memref<1x1xf32, #tpu.memory_space<hbm>> -> memref<1x1xf32, #tpu.memory_space<hbm>>
        %dma_start3A_60 = tpu.memref_squeeze %dma_start3A_59 : memref<1x1xf32, #tpu.memory_space<hbm>> -> memref<1xf32, #tpu.memory_space<hbm>>
        %dma_start3A_61 = arith.constant 0 : i32
        %dma_start3A_62 = tpu.memref_slice %arg7[%run_scoped3A, %dma_start3A_61] : memref<1x1xf32, #tpu.memory_space<hbm>> -> memref<1x1xf32, #tpu.memory_space<hbm>>
        %dma_start3A_63 = tpu.memref_squeeze %dma_start3A_62 : memref<1x1xf32, #tpu.memory_space<hbm>> -> memref<1xf32, #tpu.memory_space<hbm>>
        %dma_start3A_64 = arith.constant 0 : i32
        %dma_start3A_65 = tpu.memref_slice %arg15[%dma_start3A_64] : memref<16xf32, #tpu.memory_space<vmem>> -> memref<1xf32, #tpu.memory_space<vmem>>
        tpu.enqueue_dma source(%dma_start3A_65 : memref<1xf32, #tpu.memory_space<vmem>>) target(%dma_start3A_63 : memref<1xf32, #tpu.memory_space<hbm>>) target_semaphore(%run_scoped3A_56 : memref<!tpu.dma_semaphore, #tpu.memory_space<semaphore_mem>>)
        %dma_wait3A = arith.constant 0 : i32
        %dma_wait3A_66 = tpu.memref_slice %arg15[%dma_wait3A] : memref<16xf32, #tpu.memory_space<vmem>> -> memref<1xf32, #tpu.memory_space<vmem>>
        %dma_wait3A_67 = arith.constant 0 : i32
        %dma_wait3A_68 = tpu.memref_slice %arg7[%run_scoped3A, %dma_wait3A_67] : memref<1x1xf32, #tpu.memory_space<hbm>> -> memref<1x1xf32, #tpu.memory_space<hbm>>
        %dma_wait3A_69 = tpu.memref_squeeze %dma_wait3A_68 : memref<1x1xf32, #tpu.memory_space<hbm>> -> memref<1xf32, #tpu.memory_space<hbm>>
        %dma_wait3A_70 = arith.constant 0 : i32
        %dma_wait3A_71 = tpu.memref_slice %arg7[%run_scoped3A, %dma_wait3A_70] : memref<1x1xf32, #tpu.memory_space<hbm>> -> memref<1x1xf32, #tpu.memory_space<hbm>>
        %dma_wait3A_72 = tpu.memref_squeeze %dma_wait3A_71 : memref<1x1xf32, #tpu.memory_space<hbm>> -> memref<1xf32, #tpu.memory_space<hbm>>
        %dma_wait3A_73 = arith.constant 0 : i32
        %dma_wait3A_74 = tpu.memref_slice %arg15[%dma_wait3A_73] : memref<16xf32, #tpu.memory_space<vmem>> -> memref<1xf32, #tpu.memory_space<vmem>>
        tpu.wait_dma2 semaphore(%run_scoped3A_56 : memref<!tpu.dma_semaphore, #tpu.memory_space<semaphore_mem>>) src(%dma_wait3A_74 : memref<1xf32, #tpu.memory_space<vmem>>) dst(%dma_wait3A_72 : memref<1xf32, #tpu.memory_space<hbm>>)
        tpu.yield
      }) : () -> ()
    } else {
    }
    return
  }
}

</mosaic_0001>

<sc_bundles>
// kernel: _run.3.cloned.1.call-start
scs
__scs_entry_jumppad:
0x0: {  	(pc) =	sbr.rel $0x88, $3  }
0x1: {  	(tag) =	ssettag $0x0;
	lr =	simm.s32 $0x1  }
0x2: {  	[smem:$0x3F9C] =	sst lr;
	_ =	strace $0xD0000000  }
0x3: {  	_ = 	snop  }
0x4: {  	_ = 	snop  }
0x5: {  	_ = 	snop  }
0x6: {  	_ = 	snop  }
0x7: {  	_ = 	snop  }
__scs_overlays_trampoline_lowered:
0x8: {  	[smem:$0x3FAB] =	sst s0  }
0x9: {  	[smem:$0x3FAC] =	sst s1  }
0xa: {  	[smem:$0x3FAD] =	sst s2  }
0xb: {  	[smem:$0x3FAE] =	sst s3  }
0xc: {  	[smem:$0x3FAF] =	sst s4  }
0xd: {  	[smem:$0x3FB0] =	sst s5  }
0xe: {  	[smem:$0x3FB1] =	sst s6  }
0xf: {  	[smem:$0x3FB2] =	sst s7  }
0x10: {  	[smem:$0x3FB3] =	sst s8  }
0x11: {  	[smem:$0x3FB4] =	sst s9;
	s0 =	simm.s32 @!p0 $0x0  }
0x12: {  	s1 =	sld [smem:$0x3F9A];
	s0 =	simm.s32 @p0 $0x1  }
0x13: {  	[smem:$0x3FB5] =	sst s0;
	s0 =	simm.s32 @!p1 $0x0  }
0x14: {  	s2 =	sld [smem:$0x3F99];
	s0 =	simm.s32 @p1 $0x1  }
0x15: {  	[smem:$0x3FB6] =	sst s0;
	s0 =	simm.s32 @!p2 $0x0  }
0x16: {  	s3 =	sld [smem:$0x3FDB];
	s0 =	simm.s32 @p2 $0x1  }
0x17: {  	s4 =	simm.s32 $0x1BF5;
	[smem:$0x3FB8] =	sst s0  }
0x18: {  	s0 =	sld [smem:$0x3F9B];
	_ =	swait.ge [sflag:s4], $0x0  }
0x19: {  	s7 =	sld [smem:$0x3F9C]  }
0x1a: {  	s8 =	sadd.s32 $0xFFFFE003, lr  }
0x1b: {  	s9 =	sadd.s32 $0xFFFFFEF7, lr;
	s5 =	simm.s32 $0xFFFFFFFF;
	p2 =	slt.u32 s8, $0xFFFFF086  }
0x1c: {  	p1 =	slt.u32 s9, $0xF7A;
	s5 =	simm.s32 @!p2 $0x0  }
0x1d: {  	s5 =	simm.s32 @p1 $0x1;
	p0 =	seq.s32 s7, s2  }
0x1e: {  	s7 =	smul.u32 @!p0 $0xF7A, s2;
	p2 =	seq.s32 @!p0 s5, $0x0  }
0x1f: {  	s9 =	smul.u32 $0xF7A, s1;
	s8 =	simm.s32 @!p0 $0x1BF5;
	p2 =	por !p2, p0  }
0x20: {  	[sflag:s8] =	ssyncset.s32 @!p0 $0xFFFFF086;
	s6 =	sadd.s32 @!p0 s3, s7;
	s7 =	simm.s32 @!p0 $0x108  }
0x21: {  	s3 =	sadd.s32 s3, s9;
	s6 =	sadd.s32 @!p0 $0x88, s6;
	s7 =	simm.s32 @p2 $0x1082  }
0x22: {  	[simem:s7], [sflag:s8] =	dma.local @!p0 [hbm:s6], $0xF7A  }
0x23: {  	s9 =	sor.u32 $0xD0000000, s2;
	s6 =	simm.s32 $0x108;
	_ =	swait.ge @!p0 [sflag:s8], $0x0  }
0x24: {  	s3 =	sadd.s32 $0x88, s3;
	s6 =	simm.s32 @!p1 $0x1082;
	[sflag:s4] =	ssyncset.s32 $0xFFFFF086  }
0x25: {  	[simem:s6], [sflag:s4] =	dma.local [hbm:s3], $0xF7A  }
0x26: {  	[smem:$0x3F9C] =	sst s1;
	(tag) =	ssettag s2;
	_ =	strace s9  }
0x27: {  	s1 =	sld [smem:$0x3FAC]  }
0x28: {  	s2 =	sld [smem:$0x3FAD]  }
0x29: {  	s4 =	sld [smem:$0x3FAF]  }
0x2a: {  	p0 =	seq.s32 s5, $0x0;
	s5 =	sld [smem:$0x3FB0]  }
0x2b: {  	s6 =	sld [smem:$0x3FB1]  }
0x2c: {  	s7 =	sld [smem:$0x3FB2]  }
0x2d: {  	s3 =	simm.s32 $0x108;
	s8 =	sld [smem:$0x3FB3]  }
0x2e: {  	s3 =	simm.s32 @!p0 $0x1082;
	s9 =	sld [smem:$0x3FB4]  }
0x2f: {  	lr =	sadd.s32 s0, s3;
	s0 =	sld [smem:$0x3FAB]  }
0x30: {  	s3 =	sld [smem:$0x3FAE]  }
0x31: {  	[smem:$0x3FB7] =	sst s10  }
0x32: {  	s10 =	sld [smem:$0x3FB5];
	_ =	sdelay $0x3  }
0x33: {  	p0 =	seq.s32 s10, $0x1;
	s10 =	sld [smem:$0x3FB7];
	_ =	sdelay $0x3  }
0x34: {  	[smem:$0x3FB7] =	sst s10  }
0x35: {  	s10 =	sld [smem:$0x3FB6];
	_ =	sdelay $0x3  }
0x36: {  	p1 =	seq.s32 s10, $0x1;
	s10 =	sld [smem:$0x3FB7];
	_ =	sdelay $0x3  }
0x37: {  	[smem:$0x3FB7] =	sst s10  }
0x38: {  	s10 =	sld [smem:$0x3FB8]  }
0x39: {  	_ = 	snop;
	(pc) =	sbr.ind lr, $3  }
0x3a: {  	_ = 	snop  }
0x3b: {  	_ = 	snop  }
0x3c: {  	p2 =	seq.s32 s10, $0x1;
	s10 =	sld [smem:$0x3FB7]  }
0x3d: {  	_ =	shalt  }
0x3e: {  	_ =	shalt  }
0x3f: {  	_ =	shalt  }
0x40: {  	_ =	shalt  }
0x41: {  	_ =	shalt  }
0x42: {  	_ =	shalt  }
0x43: {  	_ =	shalt  }
0x44: {  	_ =	shalt  }
0x45: {  	_ =	shalt  }
0x46: {  	_ =	shalt  }
0x47: {  	_ =	shalt  }
0x48: {  	_ =	shalt  }
0x49: {  	_ =	shalt  }
0x4a: {  	_ =	shalt  }
0x4b: {  	_ =	shalt  }
0x4c: {  	_ =	shalt  }
0x4d: {  	_ =	shalt  }
0x4e: {  	_ =	shalt  }
0x4f: {  	_ =	shalt  }
0x50: {  	_ =	shalt  }
0x51: {  	_ =	shalt  }
0x52: {  	_ =	shalt  }
0x53: {  	_ =	shalt  }
0x54: {  	_ =	shalt  }
0x55: {  	_ =	shalt  }
0x56: {  	_ =	shalt  }
0x57: {  	_ =	shalt  }
0x58: {  	_ =	shalt  }
0x59: {  	_ =	shalt  }
0x5a: {  	_ =	shalt  }
0x5b: {  	_ =	shalt  }
0x5c: {  	_ =	shalt  }
0x5d: {  	_ =	shalt  }
0x5e: {  	_ =	shalt  }
0x5f: {  	_ =	shalt  }
0x60: {  	_ =	shalt  }
0x61: {  	_ =	shalt  }
0x62: {  	_ =	shalt  }
0x63: {  	_ =	shalt  }
0x64: {  	_ =	shalt  }
0x65: {  	_ =	shalt  }
0x66: {  	_ =	shalt  }
0x67: {  	_ =	shalt  }
0x68: {  	_ =	shalt  }
0x69: {  	_ =	shalt  }
0x6a: {  	_ =	shalt  }
0x6b: {  	_ =	shalt  }
0x6c: {  	_ =	shalt  }
0x6d: {  	_ =	shalt  }
0x6e: {  	_ =	shalt  }
0x6f: {  	_ =	shalt  }
0x70: {  	_ =	shalt  }
0x71: {  	_ =	shalt  }
0x72: {  	_ =	shalt  }
0x73: {  	_ =	shalt  }
0x74: {  	_ =	shalt  }
0x75: {  	_ =	shalt  }
0x76: {  	_ =	shalt  }
0x77: {  	_ =	shalt  }
0x78: {  	_ =	shalt  }
0x79: {  	_ =	shalt  }
0x7a: {  	_ =	shalt  }
0x7b: {  	_ =	shalt  }
0x7c: {  	_ =	shalt  }
0x7d: {  	_ =	shalt  }
0x7e: {  	_ =	shalt  }
0x7f: {  	_ =	shalt  }
0x80: {  	_ =	shalt  }
0x81: {  	_ =	shalt  }
0x82: {  	_ =	shalt  }
0x83: {  	_ =	shalt  }
0x84: {  	_ =	shalt  }
0x85: {  	_ =	shalt  }
0x86: {  	_ =	shalt  }
0x87: {  	_ =	shalt  }
.Lfunc_end0:
.L_simem_size_0:
called_computation_lowered:
.L_overlay_start_0:
0x88: {  	s0 =	sld [smem:$0x3FD9]  }
0x89: {  	s1 =	sld [smem:$0x3FFE];
	_ =	sdelay $0x3  }
0x8a: {  	s0 =	sadd.s32 s1, s0  }
0x8b: {  	[smem:$0x3FC3] =	sst s0  }
0x8c: {  	_ = 	snop  }
0x8d: {  	s0 =	sld [smem:$0x3FC9]  }
0x8e: {  	s17 =	sld [smem:$0x3FC8]  }
0x8f: {  	s2 =	sld [smem:$0x3FC7]  }
0x90: {  	s3 =	sld [smem:$0x3FC6]  }
0x91: {  	s4 =	sld [smem:$0x3FC5]  }
0x92: {  	s5 =	sld [smem:$0x3FD0];
	(tm) =	ssettm $0x1  }
0x93: {  	s6 =	sld [smem:$0x3FFB];
	_ =	sdelay $0x3  }
0x94: {  	_ =	strace s6  }
0x95: {  	s6 =	sld [smem:$0x3FFC];
	_ =	sdelay $0x3  }
0x96: {  	_ =	strace s6  }
0x97: {  	s6 =	sld [smem:$0x3FFD];
	_ =	sdelay $0x3  }
0x98: {  	_ =	strace s6  }
0x99: {  	_ =	strace $0x8FFFFFFF  }
0x9a: {  	s18 =	sld [smem:$0x3FDB];
	_ =	sdelay $0x1  }
0x9b: {  	s7 =	simm.s32 $_scs_section_size  }
0x9c: {  	s8 =	simm.s32 $_size__tile_overlayer_lowered;
	s9 =	simm.s32 $_tile_overlayer_lowered  }
0x9d: {  	s21 =	simm.s32 $0x1BFF;
	s20 =	sshll.u32 s9, $0x1;
	s6 =	sadd.s32 s7, s18  }
0x9e: {  	s10 =	simm.s32 $0x0;
	s19 =	sshll.u32 s8, $0x1;
	s8 =	sadd.s32 s20, s6  }
0x9f: {  	[timem:s10], [sflag:s21] =	dma.local [hbm:s8], s19  }
0xa0: {  	_ =	swait.ge [sflag:s21], s19  }
0xa1: {  	s7 =	ssub.s32 $0x0, s19;
	[sflag:s21] =	ssyncset.done $0x0  }
0xa2: {  	[sflag:s21] =	ssyncadd.s32 s7;
	_ =	sdelay $0x1  }
0xa3: {  	s22 =	simm.s32 $0x1B8B  }
0xa4: {  	_ =	swait.ge [sflag:s22], $0x1  }
0xa5: {  	[sflag:s22] =	ssyncset.done $0x0  }
0xa6: {  	s23 =	simm.s32 $0x1B8E;
	[sflag:s22] =	ssyncadd.s32 $0xFFFFFFFF  }
0xa7: {  	s24 =	simm.s32 $execute0_lowered;
	[smem:$0x3FD2] =	sst s23  }
0xa8: {  	s7 =	sshll.u32 s24, $0x1;
	_ =	strace $0x80000046;
	[dreg:$0x1] =	wrdreg $0xFFFFFFFF  }
0xa9: {  	s25 =	simm.s32 $_size_execute0_lowered;
	s6 =	sadd.s32 s6, s7;
	[dreg:$0x0] =	wrdreg $0x0  }
0xaa: {  	s7 =	sshll.u32 s25, $0x1;
	[dreg:$0x2] =	wrdreg s6  }
0xab: {  	[dreg:$0x3] =	wrdreg s7  }
0xac: {  	[dreg:$0x4] =	wrdreg $0xC0  }
0xad: {  	_ =	task [dreg:s10], $0x5FFFF  }
0xae: {  	[dreg:$0x1] =	wrdreg $0xFFFFFFFF  }
0xaf: {  	[dreg:$0x0] =	wrdreg $0x60  }
0xb0: {  	[dreg:$0x2] =	wrdreg s3  }
0xb1: {  	[dreg:$0x3] =	wrdreg s4  }
0xb2: {  	[dreg:$0x4] =	wrdreg s0  }
0xb3: {  	[dreg:$0x5] =	wrdreg s17  }
0xb4: {  	[dreg:$0x6] =	wrdreg s2  }
0xb5: {  	[dreg:$0x7] =	wrdreg s5  }
0xb6: {  	[dreg:$0x8] =	wrdreg $0x1C2000  }
0xb7: {  	[dreg:$0x9] =	wrdreg $0x9  }
0xb8: {  	_ =	task.clear_ibuf [dreg:s10], $0xAFFFF;
	_ =	strace $0x90000046  }
0xb9: {  	s26 =	simm.s32 $0x9;
	_ =	strace $0x80000048  }
0xba: {  	_ =	swait.ge [sflag:s26], $0x1  }
0xbb: {  	[sflag:s26] =	ssyncadd.s32 $0xFFFFFFFF  }
0xbc: {  	_ =	strace $0x90000048  }
0xbd: {  	_ =	sfence  }
0xbe: {  	s28 =	sld [smem:$0x0];
	_ =	sdelay $0x1  }
0xbf: {  	s29 =	srdreg.scid  }
0xc0: {  	s30 =	sshll.u32 s29, $0xD;
	s31 =	sshrl.u32 s29, $0x2  }
0xc1: {  	s1 =	sand.u32 $0x1, s29;
	s2 =	sand.u32 $0x4000, s30;
	s0 =	sadd.s32 s31, s28  }
0xc2: {  	s1 =	sor.u32 s2, s1;
	s0 =	sshll.u32 s0, $0x11  }
0xc3: {  	s0 =	sor.u32 s0, s1  }
0xc4: {  	s0 =	sadd.s32 $0x8F2B, s0  }
0xc5: {  	[sflag:s0] =	ssyncadd.remote.s32 $0x1  }
0xc6: {  	_ =	sfence.sel $0xFFFF  }
0xc7: {  	[dreg:$0x0] =	wrdreg $0xFFFFFFFF;
	(pc) =	sbr.abs _section_cstart, $3  }
0xc8: {  	[dreg:$0x1] =	wrdreg $0xFFFFFFFF  }
0xc9: {  	_ =	task.clear_ibuf [dreg:s10], $0x2FFFF;
	_ =	strace $0x9FFFFFFF  }
0xca: {  	(tm) =	ssettm $0x7FFFFFFF  }
0xcb: {  	_ =	shalt  }
tec
execute0_lowered:
.L_overlay_start_1:
0x0: {  	(tag) =	ssettag $0x1  }
0x1: {  	s3 =	rddreg [dreg:$0x0]  }
0x2: {  	s9 =	rddreg [dreg:$0x1]  }
0x3: {  	s4 =	rddreg [dreg:$0x2]  }
0x4: {  	s5 =	rddreg [dreg:$0x3]  }
0x5: {  	s6 =	rddreg [dreg:$0x4]  }
0x6: {  	s1 =	rddreg [dreg:$0x5]  }
0x7: {  	s2 =	rddreg [dreg:$0x6];
	s7 =	simm.s32 $0x0  }
0x8: {  	v0 =	vimm.s32 $0x0;
	[smem:$0x7FF] =	sst s7  }
0x9: {  	s0 =	rddreg [dreg:$0x7];
	_ =	strace $0x80000047;
	[tilespmem:$0xC0] =	vst v0  }
0xa: {  	[tilespmem:s7], [sflag:$0x2] =	stream.linear.gather [hbm4b:s6+s7], $0xC8, $0x38;
	[tilespmem:$0x1C390] =	vst v63  }
0xb: {  	s12 =	simm.s32 $0xC8  }
0xc: {  	[tilespmem:s12], [sflag:$0x2] =	stream.linear.gather [hbm4b:s5+s7], $0x1, $0x38;
	[tilespmem:$0x1C390] =	vst v63  }
0xd: {  	s13 =	simm.s32 $0x100;
	s14 =	simm.s32 $0x3  }
0xe: {  	[tilespmem:s13], [sflag:$0x3] =	stream.linear.gather [hbm4b:s4+s7], $0x1, $0x38;
	[tilespmem:$0x1C390] =	vst v63  }
0xf: {  	_ =	swait.ge [sflag:s14], $0x1  }
0x10: {  	[sflag:s14] =	ssyncset.done $0x0  }
0x11: {  	[sflag:s14] =	ssyncadd.s32 $0xFFFFFFFF  }
0x12: {  	v1 =	vld [tilespmem:$0x100];
	_ =	sdelay $0x4  }
0x13: {  	(v2sf) =	vpush v1, $0x0;
	_ =	sdelay $0xe  }
0x14: {  	s10 =	simm.s32 $0x400;
	s8 =	spop (v2sf)  }
0x15: {  	s11 =	simm.s32 $0x7A1400;
	s15 =	sand.u32 $0xFFFFF80, s8  }
0x16: {  	s16 =	simm.s32 $0x2;
	s5 =	simm.s32 $0x180;
	s3 =	sadd.s32 s3, s15  }
0x17: {  	[tilespmem:s5], [sflag:$0x1] =	stream.strided.gather [hbm4b:s3+s10], $0x2000, s11, s10, $0x38;
	[tilespmem:$0x1C390] =	vst v63  }
0x18: {  	_ =	swait.ge [sflag:s16], $0xC8  }
0x19: {  	[sflag:s16] =	ssyncset.done $0x0  }
0x1a: {  	s3 =	stileid.u32;
	[sflag:s16] =	ssyncadd.s32 $0xFFFFFF38  }
0x1b: {  	s4 =	smul.u32 $0xD, s3;
	_ =	swait.ge [sflag:s16], $0x1  }
0x1c: {  	[sflag:s16] =	ssyncset.done $0x0  }
0x1d: {  	s12 =	sand.u32 $0xF0, s4;
	[sflag:s16] =	ssyncadd.s32 $0xFFFFFFFF  }
0x1e: {  	v1 =	vld [tilespmem:s12+$0x0]  }
0x1f: {  	v2 =	vld [tilespmem:s12+$0x10];
	_ =	sdelay $0x1  }
0x20: {  	v3 =	vlaneseq.u32;
	s17 =	sand.u32 $0xF, s4  }
0x21: {  	v3 =	vadd.s32 s17, v3  }
0x22: {  	v4 =	vand.u32 $0xF, v3  }
0x23: {  	v1 =	vperm.xlane v1, v4;
	v2 =	vperm.xlane v2, v4  }
0x24: {  	vm0 =	vlt.u32 v3, $0x10  }
0x25: {  	v1 =	vsel vm0, v1, v2  }
0x26: {  	(v2sf) =	vpush v1, $0x0;
	_ =	sdelay $0x3  }
0x27: {  	(v2sf) =	vpush v1, $0x1;
	_ =	sdelay $0x2  }
0x28: {  	(v2sf) =	vpush v1, $0x2;
	_ =	sdelay $0x2  }
0x29: {  	(v2sf) =	vpush v1, $0x3;
	_ =	sdelay $0x4  }
0x2a: {  	s18 =	spop (v2sf);
	(v2sf) =	vpush v1, $0x4;
	_ =	sdelay $0x3  }
0x2b: {  	s20 =	spop (v2sf);
	(v2sf) =	vpush v1, $0x5;
	_ =	sdelay $0x2  }
0x2c: {  	s21 =	spop (v2sf);
	(v2sf) =	vpush v1, $0x6;
	_ =	sdelay $0x2  }
0x2d: {  	s6 =	sand.u32 $0xFFFFF80, s18;
	s23 =	spop (v2sf);
	(v2sf) =	vpush v1, $0x7  }
0x2e: {  	s19 =	sadd.s32 s9, s6;
	s6 =	simm.s32 $0x2180;
	s12 =	sand.u32 $0xFFFFF80, s20  }
0x2f: {  	[tilespmem:s6], [sflag:$0x1] =	stream.strided.gather [hbm4b:s19+s10], $0x2000, s11, s10, $0x38;
	[tilespmem:$0x1C390] =	vst v63  }
0x30: {  	s13 =	simm.s32 $0x4180;
	s12 =	sadd.s32 s9, s12  }
0x31: {  	[tilespmem:s13], [sflag:$0x1] =	stream.strided.gather [hbm4b:s12+s10], $0x2000, s11, s10, $0x38;
	[tilespmem:$0x1C390] =	vst v63  }
0x32: {  	s12 =	sand.u32 $0xFFFFF80, s21;
	s25 =	spop (v2sf);
	(v2sf) =	vpush v1, $0x8  }
0x33: {  	s22 =	simm.s32 $0x6180;
	s12 =	sadd.s32 s9, s12  }
0x34: {  	[tilespmem:s22], [sflag:$0x1] =	stream.strided.gather [hbm4b:s12+s10], $0x2000, s11, s10, $0x38;
	[tilespmem:$0x1C390] =	vst v63  }
0x35: {  	s12 =	sand.u32 $0xFFFFF80, s23  }
0x36: {  	s24 =	simm.s32 $0x8180;
	s12 =	sadd.s32 s9, s12;
	s28 =	spop (v2sf);
	(v2sf) =	vpush v1, $0x9  }
0x37: {  	[tilespmem:s24], [sflag:$0x1] =	stream.strided.gather [hbm4b:s12+s10], $0x2000, s11, s10, $0x38;
	[tilespmem:$0x1C390] =	vst v63  }
0x38: {  	s12 =	sand.u32 $0xFFFFF80, s25  }
0x39: {  	s26 =	simm.s32 $0xA180;
	s12 =	sadd.s32 s9, s12;
	s30 =	spop (v2sf);
	(v2sf) =	vpush v1, $0xA  }
0x3a: {  	[tilespmem:s26], [sflag:$0x1] =	stream.strided.gather [hbm4b:s12+s10], $0x2000, s11, s10, $0x38;
	[tilespmem:$0x1C390] =	vst v63  }
0x3b: {  	s12 =	sand.u32 $0xFFFFF80, s28  }
0x3c: {  	s29 =	simm.s32 $0xC180;
	s14 =	spop (v2sf);
	(v2sf) =	vpush v1, $0xB;
	s12 =	sadd.s32 s9, s12  }
0x3d: {  	[tilespmem:s29], [sflag:$0x1] =	stream.strided.gather [hbm4b:s12+s10], $0x2000, s11, s10, $0x38;
	[tilespmem:$0x1C390] =	vst v63  }
0x3e: {  	s12 =	sand.u32 $0xFFFFF80, s30  }
0x3f: {  	s31 =	simm.s32 $0xE180;
	s12 =	sadd.s32 s9, s12  }
0x40: {  	[tilespmem:s31], [sflag:$0x1] =	stream.strided.gather [hbm4b:s12+s10], $0x2000, s11, s10, $0x38;
	[tilespmem:$0x1C390] =	vst v63  }
0x41: {  	s12 =	sand.u32 $0xFFFFF80, s14;
	s16 =	spop (v2sf);
	(v2sf) =	vpush v1, $0xC  }
0x42: {  	s15 =	simm.s32 $0x10180;
	s12 =	sadd.s32 s9, s12  }
0x43: {  	[tilespmem:s15], [sflag:$0x1] =	stream.strided.gather [hbm4b:s12+s10], $0x2000, s11, s10, $0x38;
	[tilespmem:$0x1C390] =	vst v63  }
0x44: {  	s12 =	sand.u32 $0xFFFFF80, s16  }
0x45: {  	s17 =	simm.s32 $0x12180;
	s18 =	spop (v2sf);
	s12 =	sadd.s32 s9, s12  }
0x46: {  	[tilespmem:s17], [sflag:$0x1] =	stream.strided.gather [hbm4b:s12+s10], $0x2000, s11, s10, $0x38;
	[tilespmem:$0x1C390] =	vst v63  }
0x47: {  	s12 =	sand.u32 $0xFFFFF80, s18  }
0x48: {  	s19 =	simm.s32 $0x14180;
	s20 =	spop (v2sf);
	s12 =	sadd.s32 s9, s12  }
0x49: {  	[tilespmem:s19], [sflag:$0x1] =	stream.strided.gather [hbm4b:s12+s10], $0x2000, s11, s10, $0x38;
	[tilespmem:$0x1C390] =	vst v63  }
0x4a: {  	s12 =	sand.u32 $0xFFFFF80, s20  }
0x4b: {  	s21 =	simm.s32 $0x16180;
	s22 =	spop (v2sf);
	s12 =	sadd.s32 s9, s12  }
0x4c: {  	[tilespmem:s21], [sflag:$0x1] =	stream.strided.gather [hbm4b:s12+s10], $0x2000, s11, s10, $0x38;
	[tilespmem:$0x1C390] =	vst v63  }
0x4d: {  	s12 =	sand.u32 $0xFFFFF80, s22  }
0x4e: {  	s23 =	simm.s32 $0x18180;
	s12 =	sadd.s32 s9, s12  }
0x4f: {  	[tilespmem:s23], [sflag:$0x1] =	stream.strided.gather [hbm4b:s12+s10], $0x2000, s11, s10, $0x38;
	[tilespmem:$0x1C390] =	vst v63  }
0x50: {  	s24 =	spop (v2sf)  }
0x51: {  	s12 =	sand.u32 $0xFFFFF80, s24  }
0x52: {  	s25 =	simm.s32 $0x1A180;
	s26 =	simm.s32 $0x1;
	s9 =	sadd.s32 s9, s12  }
0x53: {  	[tilespmem:s25], [sflag:$0x1] =	stream.strided.gather [hbm4b:s9+s10], $0x2000, s11, s10, $0x38;
	[tilespmem:$0x1C390] =	vst v63  }
0x54: {  	_ =	swait.ge [sflag:s26], $0x2000  }
0x55: {  	[sflag:s26] =	ssyncset.done $0x0  }
0x56: {  	[sflag:s26] =	ssyncadd.s32 $0xFFFFE000  }
0x57: {  	_ =	swait.ge [sflag:s26], $0x2000  }
0x58: {  	[sflag:s26] =	ssyncset.done $0x0  }
0x59: {  	[sflag:s26] =	ssyncadd.s32 $0xFFFFE000  }
0x5a: {  	_ =	swait.ge [sflag:s26], $0x2000  }
0x5b: {  	[sflag:s26] =	ssyncset.done $0x0  }
0x5c: {  	[sflag:s26] =	ssyncadd.s32 $0xFFFFE000  }
0x5d: {  	_ =	swait.ge [sflag:s26], $0x2000  }
0x5e: {  	[sflag:s26] =	ssyncset.done $0x0  }
0x5f: {  	[sflag:s26] =	ssyncadd.s32 $0xFFFFE000  }
0x60: {  	_ =	swait.ge [sflag:s26], $0x2000  }
0x61: {  	[sflag:s26] =	ssyncset.done $0x0  }
0x62: {  	[sflag:s26] =	ssyncadd.s32 $0xFFFFE000  }
0x63: {  	_ =	swait.ge [sflag:s26], $0x2000  }
0x64: {  	[sflag:s26] =	ssyncset.done $0x0  }
0x65: {  	[sflag:s26] =	ssyncadd.s32 $0xFFFFE000  }
0x66: {  	_ =	swait.ge [sflag:s26], $0x2000  }
0x67: {  	[sflag:s26] =	ssyncset.done $0x0  }
0x68: {  	[sflag:s26] =	ssyncadd.s32 $0xFFFFE000  }
0x69: {  	_ =	swait.ge [sflag:s26], $0x2000  }
0x6a: {  	[sflag:s26] =	ssyncset.done $0x0  }
0x6b: {  	vm4 =	vcmask $0x704;
	[sflag:s26] =	ssyncadd.s32 $0xFFFFE000  }
0x6c: {  	vm5 =	vcmask $0xB08;
	v0 =	vsel vm4, $0x2000, v0;
	_ =	swait.ge [sflag:s26], $0x2000  }
0x6d: {  	vm6 =	vcmask $0xF0C;
	v0 =	vsel vm5, $0x4000, v0;
	[sflag:s26] =	ssyncset.done $0x0  }
0x6e: {  	vm7 =	vcmask $0x1310;
	v0 =	vsel vm6, $0x6000, v0;
	[sflag:s26] =	ssyncadd.s32 $0xFFFFE000  }
0x6f: {  	vm8 =	vcmask $0x1714;
	v0 =	vsel vm7, $0x8000, v0;
	_ =	swait.ge [sflag:s26], $0x2000  }
0x70: {  	vm9 =	vcmask $0x1B18;
	v0 =	vsel vm8, $0xA000, v0;
	[sflag:s26] =	ssyncset.done $0x0  }
0x71: {  	vm10 =	vcmask $0x1F1C;
	v0 =	vsel vm9, $0xC000, v0;
	[sflag:s26] =	ssyncadd.s32 $0xFFFFE000  }
0x72: {  	vm11 =	vcmask $0x2320;
	v0 =	vsel vm10, $0xE000, v0;
	_ =	swait.ge [sflag:s26], $0x2000  }
0x73: {  	vm12 =	vcmask $0x2724;
	vm13 =	vcmask $0x2B28;
	v0 =	vsel vm11, $0x10000, v0;
	[sflag:s26] =	ssyncset.done $0x0  }
0x74: {  	vm14 =	vcmask $0x2F2C;
	vm15 =	vcmask $0x3330;
	v0 =	vsel vm12, $0x12000, v0;
	[sflag:s26] =	ssyncadd.s32 $0xFFFFE000  }
0x75: {  	v3 =	vimm.f32 $0.0e+00;
	v4 =	vmov s7;
	v2 =	vsel vm13, $0x14000, v0;
	s13 =	simm.s32 $0xB;
	_ =	swait.ge [sflag:s26], $0x2000  }
0x76: {  	s8 =	sand.u32 $0x7F, s8;
	v4 =	vshll.u32 v4, $0x7;
	v2 =	vsel vm14, $0x16000, v2;
	v11 =	vmov s13;
	[sflag:s26] =	ssyncset.done $0x0  }
0x77: {  	v0 =	vand.u32 $0x7F, v1;
	v2 =	vsel vm15, $0x18000, v2;
	v11 =	vshll.u32 v11, $0x7;
	s28 =	simm.s32 $0xF;
	s29 =	simm.s32 $0xC;
	[sflag:s26] =	ssyncadd.s32 $0xFFFFE000  }
0x78: {  	v5 =	vmov s28;
	v6 =	vmov s29;
	v1 =	vmov s8;
	s12 =	simm.s32 $0x1;
	_ =	swait.ge [sflag:s26], $0x2000  }
0x79: {  	s30 =	simm.s32 $0xD;
	v10 =	vor.u32 v1, v4;
	v4 =	vadd.s32 v2, v4;
	v9 =	vmov s12;
	[sflag:s26] =	ssyncset.done $0x0  }
0x7a: {  	v7 =	vmov s30;
	s14 =	simm.s32 $0x2;
	v4 =	vor.u32 v0, v4;
	v9 =	vshll.u32 v9, $0x7;
	[sflag:s26] =	ssyncadd.s32 $0xFFFFE000  }
0x7b: {  	v12 =	vmov s14;
	s15 =	simm.s32 $0x9;
	v13 =	vor.u32 v1, v9;
	v9 =	vadd.s32 v2, v9;
	_ =	swait.ge [sflag:s26], $0x2000  }
0x7c: {  	v12 =	vshll.u32 v12, $0x7;
	v14 =	vmov s15;
	s16 =	simm.s32 $0x3;
	v9 =	vor.u32 v0, v9;
	[sflag:s26] =	ssyncset.done $0x0  }
0x7d: {  	v15 =	vor.u32 v1, v12;
	v12 =	vadd.s32 v2, v12;
	v16 =	vmov s16;
	[sflag:s26] =	ssyncadd.s32 $0xFFFFE000  }
0x7e: {  	v14 =	vshll.u32 v14, $0x7;
	v12 =	vor.u32 v0, v12;
	s18 =	simm.s32 $0x4;
	v16 =	vshll.u32 v16, $0x7;
	v10 =	vld.idx.msk [tilespmem:v10+s5+$0x0], $0xffff  }
0x7f: {  	v18 =	vmov s18;
	v19 =	vor.u32 v1, v16;
	v16 =	vadd.s32 v2, v16;
	s19 =	simm.s32 $0x8;
	v4 =	vld.idx.msk [tilespmem:v4+s6+$0x0], $0xffff  }
0x80: {  	v16 =	vor.u32 v0, v16;
	v18 =	vshll.u32 v18, $0x7;
	s20 =	simm.s32 $0x5;
	v20 =	vmov s19;
	v13 =	vld.idx.msk [tilespmem:v13+s5+$0x0], $0xffff  }
0x81: {  	v21 =	vor.u32 v1, v18;
	v18 =	vadd.s32 v2, v18;
	v22 =	vmov s20;
	s21 =	simm.s32 $0x7;
	v9 =	vld.idx.msk [tilespmem:v9+s6+$0x0], $0xffff  }
0x82: {  	v18 =	vor.u32 v0, v18;
	v22 =	vshll.u32 v22, $0x7;
	s22 =	simm.s32 $0x6;
	v23 =	vmov s21;
	v15 =	vld.idx.msk [tilespmem:v15+s5+$0x0], $0xffff  }
0x83: {  	v24 =	vor.u32 v1, v22;
	v22 =	vadd.s32 v2, v22;
	v25 =	vmov s22;
	v12 =	vld.idx.msk [tilespmem:v12+s6+$0x0], $0xffff  }
0x84: {  	v22 =	vor.u32 v0, v22;
	v25 =	vshll.u32 v25, $0x7;
	v23 =	vshll.u32 v23, $0x7;
	v19 =	vld.idx.msk [tilespmem:v19+s5+$0x0], $0xffff  }
0x85: {  	v4 =	vmul.f32 v4, v10;
	v10 =	vld.idx.msk [tilespmem:v16+s6+$0x0], $0xffff;
	v16 =	vor.u32 v1, v25;
	v25 =	vadd.s32 v2, v25  }
0x86: {  	v20 =	vshll.u32 v20, $0x7;
	v26 =	vor.u32 v1, v23;
	v21 =	vld.idx.msk [tilespmem:v21+s5+$0x0], $0xffff;
	v25 =	vor.u32 v0, v25  }
0x87: {  	s17 =	simm.s32 $0xA;
	v3 =	vadd.f32 v4, v3;
	v4 =	vmul.f32 v9, v13;
	v9 =	vld.idx.msk [tilespmem:v18+s6+$0x0], $0xffff;
	v13 =	vadd.s32 v2, v23  }
0x88: {  	v17 =	vmov s17;
	v58 =	vor.u32 v1, v20;
	v18 =	vld.idx.msk [tilespmem:v24+s5+$0x0], $0xffff;
	v13 =	vor.u32 v0, v13  }
0x89: {  	v3 =	vadd.f32 v4, v3;
	v4 =	vmul.f32 v12, v15;
	v12 =	vld.idx.msk [tilespmem:v22+s6+$0x0], $0xffff;
	v15 =	vadd.s32 v2, v20  }
0x8a: {  	v17 =	vshll.u32 v17, $0x7;
	v20 =	vor.u32 v1, v14;
	v16 =	vld.idx.msk [tilespmem:v16+s5+$0x0], $0xffff;
	v15 =	vor.u32 v0, v15  }
0x8b: {  	v14 =	vadd.s32 v2, v14;
	v3 =	vadd.f32 v4, v3;
	v4 =	vmul.f32 v10, v19;
	v10 =	vld.idx.msk [tilespmem:v25+s6+$0x0], $0xffff  }
0x8c: {  	v6 =	vshll.u32 v6, $0x7;
	v59 =	vor.u32 v1, v17;
	v14 =	vor.u32 v0, v14;
	v19 =	vld.idx.msk [tilespmem:v26+s5+$0x0], $0xffff  }
0x8d: {  	v3 =	vadd.f32 v4, v3;
	v4 =	vmul.f32 v9, v21;
	v9 =	vld.idx.msk [tilespmem:v13+s6+$0x0], $0xffff;
	v13 =	vadd.s32 v2, v17  }
0x8e: {  	v7 =	vshll.u32 v7, $0x7;
	v60 =	vor.u32 v1, v11;
	v17 =	vld.idx.msk [tilespmem:v58+s5+$0x0], $0xffff;
	v13 =	vor.u32 v0, v13  }
0x8f: {  	s31 =	simm.s32 $0xE;
	v11 =	vadd.s32 v2, v11;
	v3 =	vadd.f32 v4, v3;
	v4 =	vmul.f32 v12, v18;
	v12 =	vld.idx.msk [tilespmem:v15+s6+$0x0], $0xffff  }
0x90: {  	v8 =	vmov s31;
	v11 =	vor.u32 v0, v11;
	v15 =	vld.idx.msk [tilespmem:v20+s5+$0x0], $0xffff;
	v18 =	vor.u32 v1, v6  }
0x91: {  	v6 =	vadd.s32 v2, v6;
	v3 =	vadd.f32 v4, v3;
	v4 =	vmul.f32 v10, v16;
	v10 =	vld.idx.msk [tilespmem:v14+s6+$0x0], $0xffff  }
0x92: {  	v8 =	vshll.u32 v8, $0x7;
	v6 =	vor.u32 v0, v6;
	v14 =	vld.idx.msk [tilespmem:v59+s5+$0x0], $0xffff;
	v16 =	vor.u32 v1, v7  }
0x93: {  	v7 =	vadd.s32 v2, v7;
	v3 =	vadd.f32 v4, v3;
	v4 =	vmul.f32 v9, v19;
	v9 =	vld.idx.msk [tilespmem:v13+s6+$0x0], $0xffff  }
0x94: {  	v5 =	vshll.u32 v5, $0x7;
	v7 =	vor.u32 v0, v7;
	v13 =	vld.idx.msk [tilespmem:v60+s5+$0x0], $0xffff;
	v19 =	vor.u32 v1, v8  }
0x95: {  	v8 =	vadd.s32 v2, v8;
	v20 =	vld.idx.msk [tilespmem:v18+s5+$0x0], $0xffff;
	v3 =	vadd.f32 v4, v3;
	v4 =	vmul.f32 v12, v17  }
0x96: {  	v8 =	vor.u32 v0, v8;
	v18 =	vor.u32 v1, v5;
	v17 =	vld.idx.msk [tilespmem:v11+s6+$0x0], $0xffff  }
0x97: {  	s7 =	simm.s32 $0x10;
	v11 =	vmul.f32 v10, v15;
	v15 =	vld.idx.msk [tilespmem:v6+s6+$0x0], $0xffff;
	v4 =	vadd.f32 v4, v3;
	v3 =	vadd.s32 v2, v5  }
0x98: {  	v61 =	vmov s7;
	s24 =	simm.s32 $0x1C;
	v10 =	vld.idx.msk [tilespmem:v16+s5+$0x0], $0xffff;
	v62 =	vor.u32 v0, v3  }
0x99: {  	s28 =	simm.s32 $0x1B;
	s23 =	simm.s32 $0x1F;
	s25 =	simm.s32 $0x1D;
	v6 =	vmov s24;
	v12 =	vld.idx.msk [tilespmem:v7+s6+$0x0], $0xffff;
	v9 =	vmul.f32 v9, v14;
	v16 =	vadd.f32 v11, v4  }
0x9a: {  	s26 =	simm.s32 $0x1E;
	v5 =	vmov s25;
	v7 =	vmov s28;
	v3 =	vmov s23;
	v11 =	vld.idx.msk [tilespmem:v19+s5+$0x0], $0xffff  }
0x9b: {  	s29 =	simm.s32 $0x11;
	s31 =	simm.s32 $0x1A;
	v4 =	vmov s26;
	v14 =	vld.idx.msk [tilespmem:v8+s6+$0x0], $0xffff;
	v63 =	vmul.f32 v17, v13;
	v19 =	vadd.f32 v9, v16  }
0x9c: {  	s30 =	simm.s32 $0x19;
	v8 =	vmov s31;
	v13 =	vld.idx.msk [tilespmem:v18+s5+$0x0], $0xffff;
	v17 =	vshll.u32 v61, $0x7;
	v16 =	vmov s29  }
0x9d: {  	s8 =	simm.s32 $0x20;
	s9 =	simm.s32 $0x12;
	v9 =	vmov s30;
	v18 =	vadd.f32 v63, v19;
	v19 =	vmul.f32 v15, v20;
	v15 =	vld.idx.msk [tilespmem:v62+s6+$0x0], $0xffff  }
.LBB2_1:
0x9e: {  	p0 =	slt.u32 s8, $0x30;
	v20 =	vor.u32 v1, v17;
	v16 =	vshll.u32 v16, $0x7;
	v21 =	vmov s9  }
0x9f: {  	v17 =	vadd.s32 v2, v17;
	v10 =	vmul.f32 v12, v10;
	v18 =	vadd.f32 v19, v18  }
0xa0: {  	v12 =	vor.u32 v0, v17;
	v17 =	vor.u32 v1, v16;
	v19 =	vshll.u32 v21, $0x7  }
0xa1: {  	s9 =	sadd.s32 $0x3, s7;
	v16 =	vadd.s32 v2, v16;
	v11 =	vmul.f32 v14, v11;
	v10 =	vadd.f32 v10, v18  }
0xa2: {  	v14 =	vor.u32 v0, v16;
	v16 =	vor.u32 v1, v19;
	v18 =	vmov s9  }
0xa3: {  	v19 =	vadd.s32 v2, v19;
	s9 =	sadd.s32 $0x4, s7;
	v10 =	vadd.f32 v11, v10;
	v11 =	vmul.f32 v15, v13  }
0xa4: {  	v18 =	vshll.u32 v18, $0x7;
	v15 =	vor.u32 v0, v19;
	v19 =	vmov s9;
	v13 =	vld.idx.msk [tilespmem:v20+s5+$0x0], $0xffff  }
0xa5: {  	s9 =	sadd.s32 $0x8, s7;
	v20 =	vor.u32 v1, v18;
	v18 =	vadd.s32 v2, v18;
	v12 =	vld.idx.msk [tilespmem:v12+s6+$0x0], $0xffff;
	v10 =	vadd.f32 v11, v10  }
0xa6: {  	s10 =	sadd.s32 $0x5, s7;
	v11 =	vld.idx.msk [tilespmem:v17+s5+$0x0], $0xffff;
	v17 =	vor.u32 v0, v18;
	v18 =	vshll.u32 v19, $0x7;
	v19 =	vmov s9  }
0xa7: {  	v22 =	vmov s10;
	s9 =	sadd.s32 $0x7, s7;
	v14 =	vld.idx.msk [tilespmem:v14+s6+$0x0], $0xffff;
	v21 =	vor.u32 v1, v18;
	v18 =	vadd.s32 v2, v18  }
0xa8: {  	s10 =	sadd.s32 $0x6, s7;
	v22 =	vshll.u32 v22, $0x7;
	s7 =	smov.u32 s8;
	v23 =	vmov s9;
	v16 =	vld.idx.msk [tilespmem:v16+s5+$0x0], $0xffff;
	v18 =	vor.u32 v0, v18  }
0xa9: {  	v25 =	vmov s10;
	v24 =	vor.u32 v1, v22;
	v22 =	vadd.s32 v2, v22;
	v15 =	vld.idx.msk [tilespmem:v15+s6+$0x0], $0xffff  }
0xaa: {  	v25 =	vshll.u32 v25, $0x7;
	v22 =	vor.u32 v0, v22;
	v23 =	vshll.u32 v23, $0x7;
	v20 =	vld.idx.msk [tilespmem:v20+s5+$0x0], $0xffff  }
0xab: {  	v12 =	vmul.f32 v12, v13;
	v13 =	vld.idx.msk [tilespmem:v17+s6+$0x0], $0xffff;
	v17 =	vor.u32 v1, v25;
	v25 =	vadd.s32 v2, v25  }
0xac: {  	v19 =	vshll.u32 v19, $0x7;
	v26 =	vor.u32 v1, v23;
	v21 =	vld.idx.msk [tilespmem:v21+s5+$0x0], $0xffff;
	v25 =	vor.u32 v0, v25  }
0xad: {  	v10 =	vadd.f32 v12, v10;
	v11 =	vmul.f32 v14, v11;
	v14 =	vadd.s32 v2, v23;
	v12 =	vld.idx.msk [tilespmem:v18+s6+$0x0], $0xffff  }
0xae: {  	v9 =	vshll.u32 v9, $0x7;
	v23 =	vor.u32 v1, v19;
	v14 =	vor.u32 v0, v14;
	v18 =	vld.idx.msk [tilespmem:v24+s5+$0x0], $0xffff  }
0xaf: {  	v10 =	vadd.f32 v11, v10;
	v11 =	vmul.f32 v15, v16;
	v16 =	vadd.s32 v2, v19;
	v15 =	vld.idx.msk [tilespmem:v22+s6+$0x0], $0xffff  }
0xb0: {  	v8 =	vshll.u32 v8, $0x7;
	v19 =	vor.u32 v1, v9;
	v16 =	vor.u32 v0, v16;
	v17 =	vld.idx.msk [tilespmem:v17+s5+$0x0], $0xffff  }
0xb1: {  	v9 =	vadd.s32 v2, v9;
	v10 =	vadd.f32 v11, v10;
	v11 =	vmul.f32 v13, v20;
	v13 =	vld.idx.msk [tilespmem:v25+s6+$0x0], $0xffff  }
0xb2: {  	v7 =	vshll.u32 v7, $0x7;
	v9 =	vor.u32 v0, v9;
	v22 =	vor.u32 v1, v8;
	v20 =	vld.idx.msk [tilespmem:v26+s5+$0x0], $0xffff  }
0xb3: {  	v8 =	vadd.s32 v2, v8;
	v10 =	vadd.f32 v11, v10;
	v11 =	vmul.f32 v12, v21;
	v12 =	vld.idx.msk [tilespmem:v14+s6+$0x0], $0xffff  }
0xb4: {  	v6 =	vshll.u32 v6, $0x7;
	v8 =	vor.u32 v0, v8;
	v21 =	vor.u32 v1, v7;
	v14 =	vld.idx.msk [tilespmem:v23+s5+$0x0], $0xffff  }
0xb5: {  	v7 =	vadd.s32 v2, v7;
	v10 =	vadd.f32 v11, v10;
	v11 =	vmul.f32 v15, v18;
	v15 =	vld.idx.msk [tilespmem:v16+s6+$0x0], $0xffff  }
0xb6: {  	v5 =	vshll.u32 v5, $0x7;
	v7 =	vor.u32 v0, v7;
	v18 =	vor.u32 v1, v6;
	v16 =	vld.idx.msk [tilespmem:v19+s5+$0x0], $0xffff  }
0xb7: {  	v6 =	vadd.s32 v2, v6;
	v10 =	vadd.f32 v11, v10;
	v11 =	vmul.f32 v13, v17;
	v9 =	vld.idx.msk [tilespmem:v9+s6+$0x0], $0xffff  }
0xb8: {  	v4 =	vshll.u32 v4, $0x7;
	v6 =	vor.u32 v0, v6;
	v17 =	vor.u32 v1, v5;
	v13 =	vld.idx.msk [tilespmem:v22+s5+$0x0], $0xffff  }
0xb9: {  	v5 =	vadd.s32 v2, v5;
	v10 =	vadd.f32 v11, v10;
	v11 =	vmul.f32 v12, v20;
	v8 =	vld.idx.msk [tilespmem:v8+s6+$0x0], $0xffff  }
0xba: {  	v3 =	vshll.u32 v3, $0x7;
	v5 =	vor.u32 v0, v5;
	v20 =	vor.u32 v1, v4;
	v19 =	vld.idx.msk [tilespmem:v21+s5+$0x0], $0xffff  }
0xbb: {  	v4 =	vadd.s32 v2, v4;
	v10 =	vadd.f32 v11, v10;
	v11 =	vmul.f32 v15, v14;
	v14 =	vld.idx.msk [tilespmem:v7+s6+$0x0], $0xffff  }
0xbc: {  	v21 =	vor.u32 v1, v3;
	v15 =	vld.idx.msk [tilespmem:v18+s5+$0x0], $0xffff;
	v18 =	vor.u32 v0, v4  }
0xbd: {  	v3 =	vadd.s32 v2, v3;
	v4 =	vadd.f32 v11, v10;
	v7 =	vmul.f32 v9, v16;
	v22 =	vld.idx.msk [tilespmem:v6+s6+$0x0], $0xffff  }
0xbe: {  	s11 =	sadd.s32 $0xD, s8;
	s9 =	sadd.s32 $0xF, s8;
	v23 =	vmov s8;
	v24 =	vor.u32 v0, v3;
	v10 =	vld.idx.msk [tilespmem:v17+s5+$0x0], $0xffff  }
.Ltmp0:
0xbf: {  	s12 =	sadd.s32 $0xE, s8;
	s10 =	sadd.s32 $0xC, s8;
	v3 =	vmov s9;
	v9 =	vadd.f32 v7, v4;
	v8 =	vmul.f32 v8, v13;
	v12 =	vld.idx.msk [tilespmem:v5+s6+$0x0], $0xffff;
	(pc) =	sbr.rel @p0 .LBB2_1-.Ltmp0, $4  }
0xc0: {  	s9 =	sadd.s32 $0xB, s8;
	v6 =	vmov s10;
	v4 =	vmov s12;
	v5 =	vmov s11;
	v11 =	vld.idx.msk [tilespmem:v20+s5+$0x0], $0xffff  }
0xc1: {  	s10 =	sadd.s32 $0x1, s8;
	s12 =	sadd.s32 $0xA, s8;
	v7 =	vmov s9;
	s11 =	sadd.s32 $0x9, s8;
	v20 =	vadd.f32 v8, v9;
	v19 =	vmul.f32 v14, v19;
	v14 =	vld.idx.msk [tilespmem:v18+s6+$0x0], $0xffff  }
0xc2: {  	v16 =	vmov s10;
	v9 =	vmov s11;
	v8 =	vmov s12;
	v13 =	vld.idx.msk [tilespmem:v21+s5+$0x0], $0xffff  }
0xc3: {  	v17 =	vshll.u32 v23, $0x7;
	s9 =	sadd.s32 $0x2, s7;
	s8 =	sadd.s32 $0x10, s8;
	v18 =	vadd.f32 v19, v20;
	v19 =	vmul.f32 v22, v15;
	v15 =	vld.idx.msk [tilespmem:v24+s6+$0x0], $0xffff  }
0xc4: {  	v20 =	vor.u32 v1, v17;
	v16 =	vshll.u32 v16, $0x7;
	v21 =	vmov s9  }
0xc5: {  	v48 =	vadd.s32 v2, v17;
	v10 =	vmul.f32 v12, v10;
	v9 =	vshll.u32 v9, $0x7  }
0xc6: {  	v8 =	vshll.u32 v8, $0x7;
	v18 =	vadd.f32 v19, v18;
	v49 =	vor.u32 v0, v48  }
0xc7: {  	s8 =	sadd.s32 $0x3, s7;
	s23 =	sadd.s32 $0x4, s7;
	s25 =	sadd.s32 $0x5, s7;
	v50 =	vor.u32 v1, v16;
	v51 =	vshll.u32 v21, $0x7;
	v16 =	vadd.s32 v2, v16  }
0xc8: {  	s26 =	sadd.s32 $0x7, s7;
	s28 =	sadd.s32 $0x6, s7;
	v54 =	vmov s8;
	v58 =	vmov s23;
	v22 =	vmov s25  }
0xc9: {  	v23 =	vmov s26;
	v25 =	vmov s28;
	v52 =	vor.u32 v0, v16  }
0xca: {  	v11 =	vmul.f32 v14, v11;
	v53 =	vor.u32 v1, v51;
	v19 =	vadd.s32 v2, v51  }
0xcb: {  	v10 =	vadd.f32 v10, v18;
	v57 =	vor.u32 v0, v19;
	v18 =	vshll.u32 v54, $0x7;
	v56 =	vld.idx.msk [tilespmem:v20+s5+$0x0], $0xffff  }
0xcc: {  	v62 =	vshll.u32 v58, $0x7;
	v59 =	vor.u32 v1, v18;
	v18 =	vadd.s32 v2, v18;
	v12 =	vld.idx.msk [tilespmem:v49+s6+$0x0], $0xffff  }
0xcd: {  	v22 =	vshll.u32 v22, $0x7;
	v25 =	vshll.u32 v25, $0x7;
	v61 =	vor.u32 v0, v18;
	v60 =	vld.idx.msk [tilespmem:v50+s5+$0x0], $0xffff  }
0xce: {  	v28 =	vor.u32 v1, v62;
	v24 =	vor.u32 v1, v22;
	v18 =	vadd.s32 v2, v62;
	v14 =	vld.idx.msk [tilespmem:v52+s6+$0x0], $0xffff  }
0xcf: {  	v55 =	vmul.f32 v15, v13;
	v10 =	vadd.f32 v11, v10;
	v18 =	vor.u32 v0, v18;
	v16 =	vld.idx.msk [tilespmem:v53+s5+$0x0], $0xffff  }
0xd0: {  	v22 =	vadd.s32 v2, v22;
	v30 =	vor.u32 v1, v25;
	v25 =	vadd.s32 v2, v25;
	v15 =	vld.idx.msk [tilespmem:v57+s6+$0x0], $0xffff  }
0xd1: {  	s24 =	sadd.s32 $0x8, s7;
	v22 =	vor.u32 v0, v22;
	v10 =	vadd.f32 v55, v10;
	v20 =	vld.idx.msk [tilespmem:v59+s5+$0x0], $0xffff;
	v12 =	vmul.f32 v12, v56  }
0xd2: {  	v63 =	vmov s24;
	v29 =	vshll.u32 v23, $0x7;
	v25 =	vor.u32 v0, v25;
	v17 =	vld.idx.msk [tilespmem:v61+s6+$0x0], $0xffff  }
0xd3: {  	v13 =	vadd.s32 v2, v29;
	v21 =	vld.idx.msk [tilespmem:v28+s5+$0x0], $0xffff;
	v11 =	vmul.f32 v14, v60;
	v10 =	vadd.f32 v12, v10  }
0xd4: {  	v39 =	vor.u32 v1, v9;
	v32 =	vshll.u32 v63, $0x7;
	v13 =	vor.u32 v0, v13;
	v18 =	vld.idx.msk [tilespmem:v18+s6+$0x0], $0xffff  }
0xd5: {  	v31 =	vor.u32 v1, v29;
	v33 =	vld.idx.msk [tilespmem:v24+s5+$0x0], $0xffff;
	v34 =	vmul.f32 v15, v16;
	v10 =	vadd.f32 v11, v10  }
0xd6: {  	v9 =	vadd.s32 v2, v9;
	v35 =	vor.u32 v1, v32;
	v36 =	vld.idx.msk [tilespmem:v22+s6+$0x0], $0xffff;
	v14 =	vadd.s32 v2, v32  }
0xd7: {  	v37 =	vld.idx.msk [tilespmem:v30+s5+$0x0], $0xffff;
	v14 =	vor.u32 v0, v14;
	v38 =	vmul.f32 v17, v20;
	v10 =	vadd.f32 v34, v10  }
0xd8: {  	v42 =	vor.u32 v1, v8;
	v9 =	vor.u32 v0, v9;
	v40 =	vld.idx.msk [tilespmem:v25+s6+$0x0], $0xffff  }
0xd9: {  	v8 =	vadd.s32 v2, v8;
	v13 =	vld.idx.msk [tilespmem:v13+s6+$0x0], $0xffff;
	v41 =	vmul.f32 v18, v21;
	v10 =	vadd.f32 v38, v10  }
0xda: {  	v8 =	vor.u32 v0, v8;
	v12 =	vld.idx.msk [tilespmem:v31+s5+$0x0], $0xffff  }
0xdb: {  	v7 =	vshll.u32 v7, $0x7;
	v15 =	vld.idx.msk [tilespmem:v35+s5+$0x0], $0xffff;
	v43 =	vmul.f32 v36, v33;
	v10 =	vadd.f32 v41, v10  }
0xdc: {  	v6 =	vshll.u32 v6, $0x7;
	v44 =	vor.u32 v1, v7;
	v7 =	vadd.s32 v2, v7;
	v14 =	vld.idx.msk [tilespmem:v14+s6+$0x0], $0xffff  }
0xdd: {  	v7 =	vor.u32 v0, v7;
	v9 =	vld.idx.msk [tilespmem:v9+s6+$0x0], $0xffff;
	v45 =	vmul.f32 v40, v37;
	v10 =	vadd.f32 v43, v10  }
0xde: {  	v5 =	vshll.u32 v5, $0x7;
	v46 =	vor.u32 v1, v6;
	v6 =	vadd.s32 v2, v6;
	v17 =	vld.idx.msk [tilespmem:v39+s5+$0x0], $0xffff  }
0xdf: {  	v6 =	vor.u32 v0, v6;
	v8 =	vld.idx.msk [tilespmem:v8+s6+$0x0], $0xffff;
	v47 =	vmul.f32 v13, v12;
	v10 =	vadd.f32 v45, v10  }
0xe0: {  	v4 =	vshll.u32 v4, $0x7;
	v48 =	vor.u32 v1, v5;
	v5 =	vadd.s32 v2, v5;
	v18 =	vld.idx.msk [tilespmem:v42+s5+$0x0], $0xffff  }
0xe1: {  	v5 =	vor.u32 v0, v5;
	v49 =	vld.idx.msk [tilespmem:v44+s5+$0x0], $0xffff;
	v50 =	vmul.f32 v14, v15;
	v10 =	vadd.f32 v47, v10  }
0xe2: {  	v3 =	vshll.u32 v3, $0x7;
	v51 =	vor.u32 v1, v4;
	v4 =	vadd.s32 v2, v4;
	v7 =	vld.idx.msk [tilespmem:v7+s6+$0x0], $0xffff  }
0xe3: {  	v4 =	vor.u32 v0, v4;
	v52 =	vld.idx.msk [tilespmem:v46+s5+$0x0], $0xffff;
	v9 =	vmul.f32 v9, v17;
	v10 =	vadd.f32 v50, v10  }
0xe4: {  	v54 =	vadd.s32 v2, v3;
	v53 =	vor.u32 v1, v3;
	v6 =	vld.idx.msk [tilespmem:v6+s6+$0x0], $0xffff  }
0xe5: {  	v55 =	vld.idx.msk [tilespmem:v48+s5+$0x0], $0xffff;
	v56 =	vor.u32 v0, v54;
	v8 =	vmul.f32 v8, v18;
	v57 =	vadd.f32 v9, v10  }
0xe6: {  	v5 =	vld.idx.msk [tilespmem:v5+s6+$0x0], $0xffff  }
0xe7: {  	v58 =	vld.idx.msk [tilespmem:v51+s5+$0x0], $0xffff;
	v7 =	vmul.f32 v7, v49;
	v2 =	vadd.f32 v8, v57  }
0xe8: {  	v4 =	vld.idx.msk [tilespmem:v4+s6+$0x0], $0xffff  }
0xe9: {  	v1 =	vld.idx.msk [tilespmem:v53+s5+$0x0], $0xffff;
	v6 =	vmul.f32 v6, v52;
	v2 =	vadd.f32 v7, v2  }
0xea: {  	v0 =	vld.idx.msk [tilespmem:v56+s6+$0x0], $0xffff  }
0xeb: {  	v3 =	vmul.f32 v5, v55;
	v2 =	vadd.f32 v6, v2;
	_ =	sdelay $0x1  }
0xec: {  	v59 =	vmul.f32 v4, v58;
	v2 =	vadd.f32 v3, v2;
	_ =	sdelay $0x1  }
0xed: {  	v0 =	vmul.f32 v0, v1;
	v2 =	vadd.f32 v59, v2;
	_ =	sdelay $0x1  }
0xee: {  	v0 =	vadd.f32 v0, v2  }
0xef: {  	v60 =	vlaneseq.u32  }
0xf0: {  	v1 =	vadd.s32 s4, v60;
	v2 =	vsub.f32 $0.0e+00, v0  }
0xf1: {  	vm2 =	vmmov $0x1fff;
	vm0 =	veq.s32 v1, $0xC8;
	vm1 =	vlt.u32 v1, $0xC9  }
0xf2: {  	vm1 =	vmand vm1, vm2;
	v0 =	vsel vm0, v2, v0  }
0xf3: {  	v0 =	vnsel vm1, $0xF149F2CA, v0  }
0xf4: {  	v61 =	vand.u32 $0x7FFFFFFF, v0  }
0xf5: {  	v1 =	vsub.f32 $0.0e+00, v61;
	_ =	sdelay $0x1  }
0xf6: {  	v1 =	vmul.f32 $1.442695020e+00, v1;
	_ =	sdelay $0x1  }
0xf7: {  	(erf) = vpow2.f32 v1;
	_ =	sdelay $0x8  }
0xf8: {  	v1 =	vpop (erf)  }
0xf9: {  	v62 =	vadd.f32 $2.000000000e+00, v1;
	_ =	sdelay $0x1  }
0xfa: {  	(erf) = vrcp.f32 v62;
	_ =	sdelay $0x8  }
0xfb: {  	v2 =	vpop (erf)  }
0xfc: {  	v1 =	vmul.f32 v2, v1;
	_ =	sdelay $0x1  }
0xfd: {  	v2 =	vmul.f32 v1, v1;
	_ =	sdelay $0x1  }
0xfe: {  	v63 =	vmul.f32 $1.111111120e-01, v2;
	_ =	sdelay $0x1  }
0xff: {  	v3 =	vadd.f32 $1.428571490e-01, v63;
	_ =	sdelay $0x1  }
0x100: {  	v3 =	vmul.f32 v3, v2;
	_ =	sdelay $0x1  }
0x101: {  	v3 =	vadd.f32 $2.000000030e-01, v3;
	_ =	sdelay $0x1  }
0x102: {  	v3 =	vmul.f32 v3, v2;
	_ =	sdelay $0x1  }
0x103: {  	v3 =	vadd.f32 $3.333333430e-01, v3;
	_ =	sdelay $0x1  }
0x104: {  	v2 =	vmul.f32 v3, v2;
	_ =	sdelay $0x1  }
0x105: {  	v1 =	vadd.f32 v1, v1;
	v2 =	vadd.f32 $1.000000000e+00, v2;
	_ =	sdelay $0x1  }
0x106: {  	v1 =	vmul.f32 v2, v1  }
0x107: {  	v0 =	vmax.f32 v0, $0.0e+00  }
0x108: {  	v0 =	vadd.f32 v1, v0  }
0x109: {  	s29 =	sshll.u32 s3, $0x4  }
0x10a: {  	s30 =	simm.s32 $0x1C180;
	s31 =	simm.s32 $0x4;
	s4 =	sadd.s32 s29, s2;
	[tilespmem:$0x1C180] =	vst v0  }
0x10b: {  	[spmem:s4] =	stream.linear.scatter [tilespmem:s30], [sflag:$0x4], $0x10, $0x38;
	[tilespmem:$0x1C390] =	vst v63  }
0x10c: {  	_ =	swait.ge [sflag:s31], $0x10  }
0x10d: {  	[sflag:s31] =	ssyncset.done $0x0  }
0x10e: {  	[sflag:s31] =	ssyncadd.s32 $0xFFFFFFF0  }
0x10f: {  	p0 =	sne.s32 s3, $0x0;
	[bflag:$0x0] =	sbarrier.arrive $0xFFFF  }
0x110: {  	_ =	sfence.sel @p0 $0x180000  }
0x111: {  	[bflag:$0x0] =	sbarrier.arrive @p0 $0xFFFF  }
0x112: {  	_ =	strace @p0 $0x90000047  }
0x113: {  	s3 =	simm.s32 @!p0 $0x1C210;
	[bflag:$0x2] =	sbarrier.arrive @p0 $0xFFFF  }
0x114: {  	[tilespmem:s3], [sflag:$0x4] =	stream.linear.gather @!p0 [spmem:s2], $0x100, $0x38;
	[tilespmem:$0x1C390] =	vst v63  }
0x115: {  	s2 =	simm.s32 @!p0 $0x4  }
0x116: {  	_ =	swait.ge @!p0 [sflag:s2], $0x100  }
0x117: {  	[sflag:s2] =	ssyncset.done @!p0 $0x0  }
0x118: {  	[sflag:s2] =	ssyncadd.s32 @!p0 $0xFFFFFF00  }
0x119: {  	v0 =	vld @!p0 [tilespmem:$0x1C210]  }
0x11a: {  	v1 =	vld @!p0 [tilespmem:$0x1C220];
	_ =	sdelay $0x1  }
0x11b: {  	v2 =	vld @!p0 [tilespmem:$0x1C230];
	_ =	sdelay $0x1  }
0x11c: {  	v3 =	vld @!p0 [tilespmem:$0x1C240]  }
0x11d: {  	v0 =	vadd.f32 @!p0 v1, v0  }
0x11e: {  	v1 =	vld @!p0 [tilespmem:$0x1C250]  }
0x11f: {  	v0 =	vadd.f32 @!p0 v2, v0  }
0x120: {  	v2 =	vld @!p0 [tilespmem:$0x1C260]  }
0x121: {  	v0 =	vadd.f32 @!p0 v3, v0  }
0x122: {  	v3 =	vld @!p0 [tilespmem:$0x1C270]  }
0x123: {  	v0 =	vadd.f32 @!p0 v1, v0  }
0x124: {  	v1 =	vld @!p0 [tilespmem:$0x1C280]  }
0x125: {  	v0 =	vadd.f32 @!p0 v2, v0  }
0x126: {  	v2 =	vld @!p0 [tilespmem:$0x1C290]  }
0x127: {  	v0 =	vadd.f32 @!p0 v3, v0  }
0x128: {  	v3 =	vld @!p0 [tilespmem:$0x1C2A0]  }
0x129: {  	v0 =	vadd.f32 @!p0 v1, v0  }
0x12a: {  	v1 =	vld @!p0 [tilespmem:$0x1C2B0]  }
0x12b: {  	v0 =	vadd.f32 @!p0 v2, v0  }
0x12c: {  	v2 =	vld @!p0 [tilespmem:$0x1C2C0]  }
0x12d: {  	v0 =	vadd.f32 @!p0 v3, v0  }
0x12e: {  	v3 =	vld @!p0 [tilespmem:$0x1C2D0]  }
0x12f: {  	v0 =	vadd.f32 @!p0 v1, v0  }
0x130: {  	v1 =	vld @!p0 [tilespmem:$0x1C2E0]  }
0x131: {  	v0 =	vadd.f32 @!p0 v2, v0  }
0x132: {  	v2 =	vld @!p0 [tilespmem:$0x1C2F0]  }
0x133: {  	v0 =	vadd.f32 @!p0 v3, v0  }
0x134: {  	v3 =	vld @!p0 [tilespmem:$0x1C300]  }
0x135: {  	v0 =	vadd.f32 @!p0 v1, v0;
	_ =	sdelay $0x1  }
0x136: {  	v0 =	vadd.f32 @!p0 v2, v0;
	_ =	sdelay $0x1  }
0x137: {  	v0 =	vadd.f32 @!p0 v3, v0;
	_ =	sdelay $0x1  }
0x138: {  	(xrf2) =	vadd.scan.msk.f32 @!p0 $0xffff, v0;
	_ =	sdelay $0x9  }
0x139: {  	v0, _, _ =	vpop @!p0 (xrf2)  }
0x13a: {  	v0 =	vbroadcast @!p0 v0, $0xF;
	_ =	sdelay $0x1  }
0x13b: {  	s4 =	simm.s32 @!p0 $0x1C310;
	s3 =	simm.s32 @!p0 $0x0;
	[tilespmem:$0x1C310] =	vst @!p0 v0  }
0x13c: {  	[hbm4b:s1+s3] =	stream.linear.scatter @!p0 [tilespmem:s4], [sflag:$0x4], $0x1, $0x38;
	[tilespmem:$0x1C390] =	vst v63  }
0x13d: {  	_ =	swait.ge @!p0 [sflag:s2], $0x1  }
0x13e: {  	[sflag:s2] =	ssyncset.done @!p0 $0x0  }
0x13f: {  	[sflag:s2] =	ssyncadd.s32 @!p0 $0xFFFFFFFF  }
0x140: {  	_ =	sfence.sel @!p0 $0x180000  }
0x141: {  	[bflag:$0x0] =	sbarrier.arrive @!p0 $0xFFFF  }
0x142: {  	_ =	strace @!p0 $0x90000047  }
0x143: {  	s0 =	sadd.s32 @!p0 $0x100000, s0;
	[bflag:$0x2] =	sbarrier.arrive @!p0 $0xFFFF  }
0x144: {  	[sflag:s0] =	ssyncadd.tile.s32 @!p0 $0x1;
	_ =	shalt  }
.Lfunc_end2:
_tile_overlayer_lowered:
.L_overlay_start_2:
0x145: {  	(tag) =	ssettag $0x2  }
0x146: {  	s0 =	rddreg [dreg:$0x0];
	s2 =	stileid.u32  }
0x147: {  	s1 =	rddreg [dreg:$0x1];
	p0 =	sne.s32 s2, $0x0  }
0x148: {  	s3 =	rddreg [dreg:$0x2];
	[bflag:$0x3] =	sbarrier.arrive $0xFFFF;
	s2 =	simm.s32 @!p0 $0x1C04  }
0x149: {  	[timem:s3], [sflag:s2] =	dma.local @!p0 [hbm:s0], s1  }
0x14a: {  	s0 =	simm.s32 @!p0 $0x4  }
0x14b: {  	_ =	swait.ge @!p0 [sflag:s0], s1  }
0x14c: {  	s1 =	ssub.s32 @!p0 $0x0, s1;
	[sflag:s0] =	ssyncset.done @!p0 $0x0  }
0x14d: {  	[sflag:s0] =	ssyncadd.s32 @!p0 s1  }
0x14e: {  	[bflag:$0x3] =	sbarrier.arrive $0xFFFF  }
0x14f: {  	_ =	shalt  }

</sc_bundles>
